<compile_context>
chip_gen: v7x
topology: tpu7x:2x2x1
jax: 0.10.2.dev20260603
libtpu: 0.0.44.dev20260713+nightly
codegen_flags: <defaults>
</compile_context>

<pallas_src>
import functools

import jax
import jax.numpy as jnp
from jax import lax
from jax.experimental import pallas as pl
from jax.experimental.pallas import tpu as pltpu
from jax.experimental.pallas import tpu_sc as plsc

_N = 10000
_E = 320000
_D = 128
_ALPHA = 0.9

_NC = 2
_NS = 16
_NW = _NC * _NS
_FPT = _D // _NW
_NP = 10240
_EC = 3200
_NCH = 100


def _sc_body(xt_hbm, src_hbm, dst_hbm, val_hbm, out_hbm,
             xl0, xl1, xl2, xl3, ag0, ag1, ag2, ag3,
             sb0, db0, vb0, sb1, db1, vb1, sem0, sem1):
    c = lax.axis_index("c")
    s = lax.axis_index("s")
    w = c * _NS + s
    fb = w * _FPT
    xls = (xl0, xl1, xl2, xl3)
    ags = (ag0, ag1, ag2, ag3)

    sbuf = (sb0, sb1)
    dbuf = (db0, db1)
    vbuf = (vb0, vb1)
    sem = (sem0, sem1)

    for k in range(_FPT):
        pltpu.sync_copy(xt_hbm.at[pl.ds((fb + k) * _NP, _NP)], xls[k])

    z = jnp.zeros((16,), jnp.float32)

    def zset(i, carry):
        for k in range(_FPT):
            ags[k][pl.ds(i * 16, 16)] = z
        return carry

    lax.fori_loop(0, _NP // 16, zset, 0)

    def stage_issue(ch, t):
        es = pl.ds(ch * _EC, _EC)
        pltpu.async_copy(src_hbm.at[es], sbuf[t], sem[t])
        pltpu.async_copy(dst_hbm.at[es], dbuf[t], sem[t])
        pltpu.async_copy(val_hbm.at[es], vbuf[t], sem[t])

    def stage_wait(ch, t):
        es = pl.ds(ch * _EC, _EC)
        pltpu.make_async_copy(src_hbm.at[es], sbuf[t], sem[t]).wait()
        pltpu.make_async_copy(dst_hbm.at[es], dbuf[t], sem[t]).wait()
        pltpu.make_async_copy(val_hbm.at[es], vbuf[t], sem[t]).wait()

    def process(t):
        @plsc.parallel_loop(0, _EC // 16, unroll=4)
        def group(g):
            gs = pl.ds(g * 16, 16)
            s16 = sbuf[t][gs]
            d16 = dbuf[t][gs]
            v16 = vbuf[t][gs]
            for k in range(_FPT):
                xv = plsc.load_gather(xls[k], [s16])
                plsc.addupdate_scatter(ags[k], [d16], xv * v16)

    def step(ch, t, prefetch):
        if prefetch:
            stage_issue(ch + 1, 1 - t)
        stage_wait(ch, t)
        process(t)

    stage_issue(0, 0)

    def pair(m, carry):
        ch0 = 2 * m
        step(ch0, 0, True)
        step(ch0 + 1, 1, True)
        return carry

    lax.fori_loop(0, _NCH // 2 - 1, pair, 0)
    step(_NCH - 2, 0, True)
    step(_NCH - 1, 1, False)

    for k in range(_FPT):
        pltpu.sync_copy(ags[k], out_hbm.at[pl.ds((fb + k) * _NP, _NP)])


_sc_gather_scatter = functools.partial(
    pl.kernel,
    out_type=jax.ShapeDtypeStruct((_D * _NP,), jnp.float32),
    mesh=plsc.VectorSubcoreMesh(core_axis_name="c", subcore_axis_name="s"),
    compiler_params=pltpu.CompilerParams(needs_layout_passes=False),
    scratch_types=[
        pltpu.VMEM((_NP,), jnp.float32),
        pltpu.VMEM((_NP,), jnp.float32),
        pltpu.VMEM((_NP,), jnp.float32),
        pltpu.VMEM((_NP,), jnp.float32),
        pltpu.VMEM((_NP,), jnp.float32),
        pltpu.VMEM((_NP,), jnp.float32),
        pltpu.VMEM((_NP,), jnp.float32),
        pltpu.VMEM((_NP,), jnp.float32),
        pltpu.VMEM((_EC,), jnp.int32),
        pltpu.VMEM((_EC,), jnp.int32),
        pltpu.VMEM((_EC,), jnp.float32),
        pltpu.VMEM((_EC,), jnp.int32),
        pltpu.VMEM((_EC,), jnp.int32),
        pltpu.VMEM((_EC,), jnp.float32),
        pltpu.SemaphoreType.DMA,
        pltpu.SemaphoreType.DMA,
    ],
)(_sc_body)


_BLK = 512


def _tc_body(pT_ref, xi_ref, wi_ref, wx_ref, o_ref):
    agg = jnp.transpose(pT_ref[...])
    h = _ALPHA * agg + (1.0 - _ALPHA) * jnp.dot(
        xi_ref[...], wi_ref[...], preferred_element_type=jnp.float32)
    o_ref[...] = jnp.maximum(
        jnp.dot(h, wx_ref[...], preferred_element_type=jnp.float32), 0.0)


def _tc_dense(aggT, xi, wi, wx):
    nblk = _NP // _BLK
    return pl.pallas_call(
        _tc_body,
        out_shape=jax.ShapeDtypeStruct((_NP, _D), jnp.float32),
        grid=(nblk,),
        in_specs=[
            pl.BlockSpec((_D, _BLK), lambda i: (0, i)),
            pl.BlockSpec((_BLK, 8), lambda i: (i, 0)),
            pl.BlockSpec((8, _D), lambda i: (0, 0)),
            pl.BlockSpec((_D, _D), lambda i: (0, 0)),
        ],
        out_specs=pl.BlockSpec((_BLK, _D), lambda i: (i, 0)),
    )(aggT, xi, wi, wx)


def kernel(x, x_initial, edge_index, adj_values, w_init, w_x):
    dst = edge_index[0]
    src = edge_index[1]

    xt = jnp.pad(x.T, ((0, 0), (0, _NP - _N))).reshape(_D * _NP)

    aggT = _sc_gather_scatter(xt, src, dst, adj_values).reshape(_D, _NP)

    xi = jnp.pad(x_initial, ((0, _NP - _N), (0, 5)))
    wi = jnp.pad(w_init, ((0, 5), (0, 0)))
    return _tc_dense(aggT, xi, wi, w_x)[:_N]

# --- scband reference (transcript-rebuilt; emitter-appended) ---
"""Pipeline reference for scband-graph-convolution-ii-35321811042822 (READ-ONLY COPY).

The authoritative reference and input builder live on the scoring server;
editing this copy changes nothing except your own understanding.
"""

import jax, jax.numpy as jnp
import numpy as np

N = 10000
E = 320000
D = 128
UNITS = 128
INIT_DIM = 3
ALPHA = 0.9


def setup_inputs(seed: int = 0) -> dict:
    key = jax.random.key(seed)
    k1, k2, k3, k4, k5, k6 = jax.random.split(key, 6)
    x = jax.random.normal(k1, (N, D), dtype=jnp.float32)
    x_initial = jax.random.normal(k2, (N, INIT_DIM), dtype=jnp.float32)
    edge_index = jax.random.randint(k3, (2, E), 0, N, dtype=jnp.int32)
    adj_values = jax.random.uniform(k4, (E,), dtype=jnp.float32)
    # learned parameters (glorot-normal style init)
    w_init = jax.random.normal(k5, (INIT_DIM, D), dtype=jnp.float32) * np.sqrt(2.0 / (INIT_DIM + D))
    w_x = jax.random.normal(k6, (D, UNITS), dtype=jnp.float32) * np.sqrt(2.0 / (D + UNITS))
    return {
        "x": x,
        "x_initial": x_initial,
        "edge_index": edge_index,
        "adj_values": adj_values,
        "w_init": w_init,
        "w_x": w_x,
    }


def reference(x, x_initial, edge_index, adj_values, w_init, w_x):
    # adj is a sparse [N, N] matrix given in COO form: row=edge_index[0], col=edge_index[1].
    # tf.sparse.sparse_dense_matmul(adj, x): out[i] = sum_j adj[i, j] * x[j]
    dst = edge_index[0]
    src = edge_index[1]
    msgs = jnp.take(x, src, axis=0) * adj_values[:, None]
    agg = jax.ops.segment_sum(msgs, dst, num_segments=N)
    # GCNII residual: alpha * (A x) + (1 - alpha) * (x_initial @ w_init)
    h = ALPHA * agg + (1.0 - ALPHA) * jnp.matmul(x_initial, w_init)
    out = jnp.matmul(h, w_x)
    # bias=False in init_kwargs, dropout=0.0 so no dropout branch
    return jax.nn.relu(out)

if __name__ == "__main__":
    import jax
    _d = setup_inputs()
    print(jax.jit(kernel)(*tuple(_d.values())))

</pallas_src>

<mosaic_0001>
#map = affine_map<(d0, d1) -> (0)>
module attributes {stable_mosaic.version = 14 : i64} {
  func.func @_sc_body(%arg0: i32, %arg1: i32, %arg2: memref<1310720xf32, #tpu.memory_space<hbm>>, %arg3: memref<320000xi32, #tpu.memory_space<hbm>>, %arg4: memref<320000xi32, #tpu.memory_space<hbm>>, %arg5: memref<320000xf32, #tpu.memory_space<hbm>>, %arg6: memref<1310720xf32, #tpu.memory_space<hbm>>, %arg7: memref<10240xf32, #tpu.memory_space<vmem>>, %arg8: memref<10240xf32, #tpu.memory_space<vmem>>, %arg9: memref<10240xf32, #tpu.memory_space<vmem>>, %arg10: memref<10240xf32, #tpu.memory_space<vmem>>, %arg11: memref<10240xf32, #tpu.memory_space<vmem>>, %arg12: memref<10240xf32, #tpu.memory_space<vmem>>, %arg13: memref<10240xf32, #tpu.memory_space<vmem>>, %arg14: memref<10240xf32, #tpu.memory_space<vmem>>, %arg15: memref<3200xi32, #tpu.memory_space<vmem>>, %arg16: memref<3200xi32, #tpu.memory_space<vmem>>, %arg17: memref<3200xf32, #tpu.memory_space<vmem>>, %arg18: memref<3200xi32, #tpu.memory_space<vmem>>, %arg19: memref<3200xi32, #tpu.memory_space<vmem>>, %arg20: memref<3200xf32, #tpu.memory_space<vmem>>, %arg21: memref<!tpu.dma_semaphore, #tpu.memory_space<semaphore_mem>>, %arg22: memref<!tpu.dma_semaphore, #tpu.memory_space<semaphore_mem>>) attributes {dimension_semantics = [#tpu.dimension_semantics<core_parallel>, #tpu.dimension_semantics<subcore_parallel>], iteration_bounds = array<i64: 2, 16>, scalar_prefetch = 0 : i64, scratch_operands = 16 : i64, tpu.core_type = #tpu.core_type<sc_vector_subcore>, window_params = [{transform_indices = #map}, {transform_indices = #map}, {transform_indices = #map}, {transform_indices = #map}, {transform_indices = #map}]} {
    %mul3A = arith.constant 16 : i32
    %mul3A_0 = arith.muli %arg0, %mul3A : i32
    %add3A = arith.addi %mul3A_0, %arg1 : i32
    %mul3A_1 = arith.constant 4 : i32
    %mul3A_2 = arith.muli %add3A, %mul3A_1 : i32
    %add3A_3 = arith.constant 0 : i32
    %add3A_4 = arith.addi %mul3A_2, %add3A_3 : i32
    %mul3A_5 = arith.constant 10240 : i32
    %mul3A_6 = arith.muli %add3A_4, %mul3A_5 : i32
    "tpu.region"() ({
      %run_scoped3A = tpu.sem_alloc : memref<!tpu.dma_semaphore, #tpu.memory_space<semaphore_mem>>
      %dma_start3A_98 = tpu.memref_slice %arg2[%mul3A_6] : memref<1310720xf32, #tpu.memory_space<hbm>> -> memref<10240xf32, #tpu.memory_space<hbm>>
      %dma_start3A_99 = tpu.memref_slice %arg2[%mul3A_6] : memref<1310720xf32, #tpu.memory_space<hbm>> -> memref<10240xf32, #tpu.memory_space<hbm>>
      tpu.enqueue_dma source(%dma_start3A_99 : memref<10240xf32, #tpu.memory_space<hbm>>) target(%arg7 : memref<10240xf32, #tpu.memory_space<vmem>>) target_semaphore(%run_scoped3A : memref<!tpu.dma_semaphore, #tpu.memory_space<semaphore_mem>>)
      %dma_wait3A_100 = tpu.memref_slice %arg2[%mul3A_6] : memref<1310720xf32, #tpu.memory_space<hbm>> -> memref<10240xf32, #tpu.memory_space<hbm>>
      %dma_wait3A_101 = tpu.memref_slice %arg2[%mul3A_6] : memref<1310720xf32, #tpu.memory_space<hbm>> -> memref<10240xf32, #tpu.memory_space<hbm>>
      tpu.wait_dma2 semaphore(%run_scoped3A : memref<!tpu.dma_semaphore, #tpu.memory_space<semaphore_mem>>) src(%dma_wait3A_101 : memref<10240xf32, #tpu.memory_space<hbm>>) dst(%arg7 : memref<10240xf32, #tpu.memory_space<vmem>>)
      tpu.yield
    }) : () -> ()
    %add3A_7 = arith.constant 1 : i32
    %add3A_8 = arith.addi %mul3A_2, %add3A_7 : i32
    %mul3A_9 = arith.constant 10240 : i32
    %mul3A_10 = arith.muli %add3A_8, %mul3A_9 : i32
    "tpu.region"() ({
      %run_scoped3A = tpu.sem_alloc : memref<!tpu.dma_semaphore, #tpu.memory_space<semaphore_mem>>
      %dma_start3A_98 = tpu.memref_slice %arg2[%mul3A_10] : memref<1310720xf32, #tpu.memory_space<hbm>> -> memref<10240xf32, #tpu.memory_space<hbm>>
      %dma_start3A_99 = tpu.memref_slice %arg2[%mul3A_10] : memref<1310720xf32, #tpu.memory_space<hbm>> -> memref<10240xf32, #tpu.memory_space<hbm>>
      tpu.enqueue_dma source(%dma_start3A_99 : memref<10240xf32, #tpu.memory_space<hbm>>) target(%arg8 : memref<10240xf32, #tpu.memory_space<vmem>>) target_semaphore(%run_scoped3A : memref<!tpu.dma_semaphore, #tpu.memory_space<semaphore_mem>>)
      %dma_wait3A_100 = tpu.memref_slice %arg2[%mul3A_10] : memref<1310720xf32, #tpu.memory_space<hbm>> -> memref<10240xf32, #tpu.memory_space<hbm>>
      %dma_wait3A_101 = tpu.memref_slice %arg2[%mul3A_10] : memref<1310720xf32, #tpu.memory_space<hbm>> -> memref<10240xf32, #tpu.memory_space<hbm>>
      tpu.wait_dma2 semaphore(%run_scoped3A : memref<!tpu.dma_semaphore, #tpu.memory_space<semaphore_mem>>) src(%dma_wait3A_101 : memref<10240xf32, #tpu.memory_space<hbm>>) dst(%arg8 : memref<10240xf32, #tpu.memory_space<vmem>>)
      tpu.yield
    }) : () -> ()
    %add3A_11 = arith.constant 2 : i32
    %add3A_12 = arith.addi %mul3A_2, %add3A_11 : i32
    %mul3A_13 = arith.constant 10240 : i32
    %mul3A_14 = arith.muli %add3A_12, %mul3A_13 : i32
    "tpu.region"() ({
      %run_scoped3A = tpu.sem_alloc : memref<!tpu.dma_semaphore, #tpu.memory_space<semaphore_mem>>
      %dma_start3A_98 = tpu.memref_slice %arg2[%mul3A_14] : memref<1310720xf32, #tpu.memory_space<hbm>> -> memref<10240xf32, #tpu.memory_space<hbm>>
      %dma_start3A_99 = tpu.memref_slice %arg2[%mul3A_14] : memref<1310720xf32, #tpu.memory_space<hbm>> -> memref<10240xf32, #tpu.memory_space<hbm>>
      tpu.enqueue_dma source(%dma_start3A_99 : memref<10240xf32, #tpu.memory_space<hbm>>) target(%arg9 : memref<10240xf32, #tpu.memory_space<vmem>>) target_semaphore(%run_scoped3A : memref<!tpu.dma_semaphore, #tpu.memory_space<semaphore_mem>>)
      %dma_wait3A_100 = tpu.memref_slice %arg2[%mul3A_14] : memref<1310720xf32, #tpu.memory_space<hbm>> -> memref<10240xf32, #tpu.memory_space<hbm>>
      %dma_wait3A_101 = tpu.memref_slice %arg2[%mul3A_14] : memref<1310720xf32, #tpu.memory_space<hbm>> -> memref<10240xf32, #tpu.memory_space<hbm>>
      tpu.wait_dma2 semaphore(%run_scoped3A : memref<!tpu.dma_semaphore, #tpu.memory_space<semaphore_mem>>) src(%dma_wait3A_101 : memref<10240xf32, #tpu.memory_space<hbm>>) dst(%arg9 : memref<10240xf32, #tpu.memory_space<vmem>>)
      tpu.yield
    }) : () -> ()
    %add3A_15 = arith.constant 3 : i32
    %add3A_16 = arith.addi %mul3A_2, %add3A_15 : i32
    %mul3A_17 = arith.constant 10240 : i32
    %mul3A_18 = arith.muli %add3A_16, %mul3A_17 : i32
    "tpu.region"() ({
      %run_scoped3A = tpu.sem_alloc : memref<!tpu.dma_semaphore, #tpu.memory_space<semaphore_mem>>
      %dma_start3A_98 = tpu.memref_slice %arg2[%mul3A_18] : memref<1310720xf32, #tpu.memory_space<hbm>> -> memref<10240xf32, #tpu.memory_space<hbm>>
      %dma_start3A_99 = tpu.memref_slice %arg2[%mul3A_18] : memref<1310720xf32, #tpu.memory_space<hbm>> -> memref<10240xf32, #tpu.memory_space<hbm>>
      tpu.enqueue_dma source(%dma_start3A_99 : memref<10240xf32, #tpu.memory_space<hbm>>) target(%arg10 : memref<10240xf32, #tpu.memory_space<vmem>>) target_semaphore(%run_scoped3A : memref<!tpu.dma_semaphore, #tpu.memory_space<semaphore_mem>>)
      %dma_wait3A_100 = tpu.memref_slice %arg2[%mul3A_18] : memref<1310720xf32, #tpu.memory_space<hbm>> -> memref<10240xf32, #tpu.memory_space<hbm>>
      %dma_wait3A_101 = tpu.memref_slice %arg2[%mul3A_18] : memref<1310720xf32, #tpu.memory_space<hbm>> -> memref<10240xf32, #tpu.memory_space<hbm>>
      tpu.wait_dma2 semaphore(%run_scoped3A : memref<!tpu.dma_semaphore, #tpu.memory_space<semaphore_mem>>) src(%dma_wait3A_101 : memref<10240xf32, #tpu.memory_space<hbm>>) dst(%arg10 : memref<10240xf32, #tpu.memory_space<vmem>>)
      tpu.yield
    }) : () -> ()
    %broadcast_in_dim3A = arith.constant 0.000000e+00 : f32
    %broadcast_in_dim3A_19 = vector.broadcast %broadcast_in_dim3A : f32 to vector<16xf32>
    %scan3A = arith.constant 0 : i32
    %scan3A_20 = arith.constant 0 : i32
    %scan3A_21 = arith.constant 640 : i32
    %scan3A_22 = arith.addi %scan3A_20, %scan3A_21 : i32
    %scan3A_23 = arith.constant 1 : i32
    scf.for %scan3A_98 = %scan3A_20 to %scan3A_22 step %scan3A_23  : i32 {
      %mul3A_99 = arith.constant 16 : i32
      %mul3A_100 = arith.muli %scan3A_98, %mul3A_99 : i32
      %swap3A = arith.index_cast %mul3A_100 : i32 to index
      %swap3A_101 = tpu.vector_load %arg11[%swap3A] {strides = array<i32>} : memref<10240xf32, #tpu.memory_space<vmem>>, vector<16xf32>,
      tpu.vector_store %arg11[%swap3A], %broadcast_in_dim3A_19 {strides = array<i32>} : memref<10240xf32, #tpu.memory_space<vmem>>, vector<16xf32>,
      %mul3A_102 = arith.constant 16 : i32
      %mul3A_103 = arith.muli %scan3A_98, %mul3A_102 : i32
      %swap3A_104 = arith.index_cast %mul3A_103 : i32 to index
      %swap3A_105 = tpu.vector_load %arg12[%swap3A_104] {strides = array<i32>} : memref<10240xf32, #tpu.memory_space<vmem>>, vector<16xf32>,
      tpu.vector_store %arg12[%swap3A_104], %broadcast_in_dim3A_19 {strides = array<i32>} : memref<10240xf32, #tpu.memory_space<vmem>>, vector<16xf32>,
      %mul3A_106 = arith.constant 16 : i32
      %mul3A_107 = arith.muli %scan3A_98, %mul3A_106 : i32
      %swap3A_108 = arith.index_cast %mul3A_107 : i32 to index
      %swap3A_109 = tpu.vector_load %arg13[%swap3A_108] {strides = array<i32>} : memref<10240xf32, #tpu.memory_space<vmem>>, vector<16xf32>,
      tpu.vector_store %arg13[%swap3A_108], %broadcast_in_dim3A_19 {strides = array<i32>} : memref<10240xf32, #tpu.memory_space<vmem>>, vector<16xf32>,
      %mul3A_110 = arith.constant 16 : i32
      %mul3A_111 = arith.muli %scan3A_98, %mul3A_110 : i32
      %swap3A_112 = arith.index_cast %mul3A_111 : i32 to index
      %swap3A_113 = tpu.vector_load %arg14[%swap3A_112] {strides = array<i32>} : memref<10240xf32, #tpu.memory_space<vmem>>, vector<16xf32>,
      tpu.vector_store %arg14[%swap3A_112], %broadcast_in_dim3A_19 {strides = array<i32>} : memref<10240xf32, #tpu.memory_space<vmem>>, vector<16xf32>,
    }
    %scan3A_24 = arith.constant 640 : i32
    %dma_start3A = arith.constant 0 : i32
    %dma_start3A_25 = tpu.memref_slice %arg3[%dma_start3A] : memref<320000xi32, #tpu.memory_space<hbm>> -> memref<3200xi32, #tpu.memory_space<hbm>>
    %dma_start3A_26 = arith.constant 0 : i32
    %dma_start3A_27 = tpu.memref_slice %arg3[%dma_start3A_26] : memref<320000xi32, #tpu.memory_space<hbm>> -> memref<3200xi32, #tpu.memory_space<hbm>>
    tpu.enqueue_dma source(%dma_start3A_27 : memref<3200xi32, #tpu.memory_space<hbm>>) target(%arg15 : memref<3200xi32, #tpu.memory_space<vmem>>) target_semaphore(%arg21 : memref<!tpu.dma_semaphore, #tpu.memory_space<semaphore_mem>>)
    %dma_start3A_28 = arith.constant 0 : i32
    %dma_start3A_29 = tpu.memref_slice %arg4[%dma_start3A_28] : memref<320000xi32, #tpu.memory_space<hbm>> -> memref<3200xi32, #tpu.memory_space<hbm>>
    %dma_start3A_30 = arith.constant 0 : i32
    %dma_start3A_31 = tpu.memref_slice %arg4[%dma_start3A_30] : memref<320000xi32, #tpu.memory_space<hbm>> -> memref<3200xi32, #tpu.memory_space<hbm>>
    tpu.enqueue_dma source(%dma_start3A_31 : memref<3200xi32, #tpu.memory_space<hbm>>) target(%arg16 : memref<3200xi32, #tpu.memory_space<vmem>>) target_semaphore(%arg21 : memref<!tpu.dma_semaphore, #tpu.memory_space<semaphore_mem>>)
    %dma_start3A_32 = arith.constant 0 : i32
    %dma_start3A_33 = tpu.memref_slice %arg5[%dma_start3A_32] : memref<320000xf32, #tpu.memory_space<hbm>> -> memref<3200xf32, #tpu.memory_space<hbm>>
    %dma_start3A_34 = arith.constant 0 : i32
    %dma_start3A_35 = tpu.memref_slice %arg5[%dma_start3A_34] : memref<320000xf32, #tpu.memory_space<hbm>> -> memref<3200xf32, #tpu.memory_space<hbm>>
    tpu.enqueue_dma source(%dma_start3A_35 : memref<3200xf32, #tpu.memory_space<hbm>>) target(%arg17 : memref<3200xf32, #tpu.memory_space<vmem>>) target_semaphore(%arg21 : memref<!tpu.dma_semaphore, #tpu.memory_space<semaphore_mem>>)
    %scan3A_36 = arith.constant 0 : i32
    %scan3A_37 = arith.constant 0 : i32
    %scan3A_38 = arith.constant 49 : i32
    %scan3A_39 = arith.addi %scan3A_37, %scan3A_38 : i32
    %scan3A_40 = arith.constant 1 : i32
    scf.for %scan3A_98 = %scan3A_37 to %scan3A_39 step %scan3A_40  : i32 {
      %mul3A_99 = arith.constant 2 : i32
      %mul3A_100 = arith.muli %mul3A_99, %scan3A_98 : i32
      %add3A_101 = arith.constant 1 : i32
      %add3A_102 = arith.addi %mul3A_100, %add3A_101 : i32
      %mul3A_103 = arith.constant 3200 : i32
      %mul3A_104 = arith.muli %add3A_102, %mul3A_103 : i32
      %dma_start3A_105 = tpu.memref_slice %arg3[%mul3A_104] : memref<320000xi32, #tpu.memory_space<hbm>> -> memref<3200xi32, #tpu.memory_space<hbm>>
      %dma_start3A_106 = tpu.memref_slice %arg3[%mul3A_104] : memref<320000xi32, #tpu.memory_space<hbm>> -> memref<3200xi32, #tpu.memory_space<hbm>>
      tpu.enqueue_dma source(%dma_start3A_106 : memref<3200xi32, #tpu.memory_space<hbm>>) target(%arg18 : memref<3200xi32, #tpu.memory_space<vmem>>) target_semaphore(%arg22 : memref<!tpu.dma_semaphore, #tpu.memory_space<semaphore_mem>>)
      %dma_start3A_107 = tpu.memref_slice %arg4[%mul3A_104] : memref<320000xi32, #tpu.memory_space<hbm>> -> memref<3200xi32, #tpu.memory_space<hbm>>
      %dma_start3A_108 = tpu.memref_slice %arg4[%mul3A_104] : memref<320000xi32, #tpu.memory_space<hbm>> -> memref<3200xi32, #tpu.memory_space<hbm>>
      tpu.enqueue_dma source(%dma_start3A_108 : memref<3200xi32, #tpu.memory_space<hbm>>) target(%arg19 : memref<3200xi32, #tpu.memory_space<vmem>>) target_semaphore(%arg22 : memref<!tpu.dma_semaphore, #tpu.memory_space<semaphore_mem>>)
      %dma_start3A_109 = tpu.memref_slice %arg5[%mul3A_104] : memref<320000xf32, #tpu.memory_space<hbm>> -> memref<3200xf32, #tpu.memory_space<hbm>>
      %dma_start3A_110 = tpu.memref_slice %arg5[%mul3A_104] : memref<320000xf32, #tpu.memory_space<hbm>> -> memref<3200xf32, #tpu.memory_space<hbm>>
      tpu.enqueue_dma source(%dma_start3A_110 : memref<3200xf32, #tpu.memory_space<hbm>>) target(%arg20 : memref<3200xf32, #tpu.memory_space<vmem>>) target_semaphore(%arg22 : memref<!tpu.dma_semaphore, #tpu.memory_space<semaphore_mem>>)
      %mul3A_111 = arith.constant 3200 : i32
      %mul3A_112 = arith.muli %mul3A_100, %mul3A_111 : i32
      %dma_wait3A_113 = tpu.memref_slice %arg3[%mul3A_112] : memref<320000xi32, #tpu.memory_space<hbm>> -> memref<3200xi32, #tpu.memory_space<hbm>>
      %dma_wait3A_114 = tpu.memref_slice %arg3[%mul3A_112] : memref<320000xi32, #tpu.memory_space<hbm>> -> memref<3200xi32, #tpu.memory_space<hbm>>
      tpu.wait_dma2 semaphore(%arg21 : memref<!tpu.dma_semaphore, #tpu.memory_space<semaphore_mem>>) src(%dma_wait3A_114 : memref<3200xi32, #tpu.memory_space<hbm>>) dst(%arg15 : memref<3200xi32, #tpu.memory_space<vmem>>)
      %dma_wait3A_115 = tpu.memref_slice %arg4[%mul3A_112] : memref<320000xi32, #tpu.memory_space<hbm>> -> memref<3200xi32, #tpu.memory_space<hbm>>
      %dma_wait3A_116 = tpu.memref_slice %arg4[%mul3A_112] : memref<320000xi32, #tpu.memory_space<hbm>> -> memref<3200xi32, #tpu.memory_space<hbm>>
      tpu.wait_dma2 semaphore(%arg21 : memref<!tpu.dma_semaphore, #tpu.memory_space<semaphore_mem>>) src(%dma_wait3A_116 : memref<3200xi32, #tpu.memory_space<hbm>>) dst(%arg16 : memref<3200xi32, #tpu.memory_space<vmem>>)
      %dma_wait3A_117 = tpu.memref_slice %arg5[%mul3A_112] : memref<320000xf32, #tpu.memory_space<hbm>> -> memref<3200xf32, #tpu.memory_space<hbm>>
      %dma_wait3A_118 = tpu.memref_slice %arg5[%mul3A_112] : memref<320000xf32, #tpu.memory_space<hbm>> -> memref<3200xf32, #tpu.memory_space<hbm>>
      tpu.wait_dma2 semaphore(%arg21 : memref<!tpu.dma_semaphore, #tpu.memory_space<semaphore_mem>>) src(%dma_wait3A_118 : memref<3200xf32, #tpu.memory_space<hbm>>) dst(%arg17 : memref<3200xf32, #tpu.memory_space<vmem>>)
      %parallel_loop3A_119 = arith.constant 0 : i32
      %parallel_loop3A_120 = arith.constant 200 : i32
      %parallel_loop3A_121 = arith.constant 1 : i32
      scf.for %parallel_loop3A_145 = %parallel_loop3A_119 to %parallel_loop3A_120 step %parallel_loop3A_121  : i32 {
        %parallel_loop3A_146 = arith.constant 16 : i32
        %parallel_loop3A_147 = arith.muli %parallel_loop3A_145, %parallel_loop3A_146 : i32
        %parallel_loop3A_148 = arith.index_cast %parallel_loop3A_147 : i32 to index
        %parallel_loop3A_149 = tpu.vector_load %arg15[%parallel_loop3A_148] {strides = array<i32>} : memref<3200xi32, #tpu.memory_space<vmem>>, vector<16xi32>,
        %parallel_loop3A_150 = arith.index_cast %parallel_loop3A_147 : i32 to index
        %parallel_loop3A_151 = tpu.vector_load %arg16[%parallel_loop3A_150] {strides = array<i32>} : memref<3200xi32, #tpu.memory_space<vmem>>, vector<16xi32>,
        %parallel_loop3A_152 = arith.index_cast %parallel_loop3A_147 : i32 to index
        %parallel_loop3A_153 = tpu.vector_load %arg17[%parallel_loop3A_152] {strides = array<i32>} : memref<3200xf32, #tpu.memory_space<vmem>>, vector<16xf32>,
        %parallel_loop3A_154 = tpu.vector_load_idx %arg7[%parallel_loop3A_149] : memref<10240xf32, #tpu.memory_space<vmem>>[vector<16xi32>], vector<16xf32>,
        %parallel_loop3A_155 = arith.mulf %parallel_loop3A_154, %parallel_loop3A_153 : vector<16xf32>
        tpu.vector_store_idx %arg11[%parallel_loop3A_151], %parallel_loop3A_155 {add = true} : memref<10240xf32, #tpu.memory_space<vmem>>[vector<16xi32>], vector<16xf32>,
        %parallel_loop3A_156 = tpu.vector_load_idx %arg8[%parallel_loop3A_149] : memref<10240xf32, #tpu.memory_space<vmem>>[vector<16xi32>], vector<16xf32>,
        %parallel_loop3A_157 = arith.mulf %parallel_loop3A_156, %parallel_loop3A_153 : vector<16xf32>
        tpu.vector_store_idx %arg12[%parallel_loop3A_151], %parallel_loop3A_157 {add = true} : memref<10240xf32, #tpu.memory_space<vmem>>[vector<16xi32>], vector<16xf32>,
        %parallel_loop3A_158 = tpu.vector_load_idx %arg9[%parallel_loop3A_149] : memref<10240xf32, #tpu.memory_space<vmem>>[vector<16xi32>], vector<16xf32>,
        %parallel_loop3A_159 = arith.mulf %parallel_loop3A_158, %parallel_loop3A_153 : vector<16xf32>
        tpu.vector_store_idx %arg13[%parallel_loop3A_151], %parallel_loop3A_159 {add = true} : memref<10240xf32, #tpu.memory_space<vmem>>[vector<16xi32>], vector<16xf32>,
        %parallel_loop3A_160 = tpu.vector_load_idx %arg10[%parallel_loop3A_149] : memref<10240xf32, #tpu.memory_space<vmem>>[vector<16xi32>], vector<16xf32>,
        %parallel_loop3A_161 = arith.mulf %parallel_loop3A_160, %parallel_loop3A_153 : vector<16xf32>
        tpu.vector_store_idx %arg14[%parallel_loop3A_151], %parallel_loop3A_161 {add = true} : memref<10240xf32, #tpu.memory_space<vmem>>[vector<16xi32>], vector<16xf32>,
      } {sc.loop_unroll_factor = 4 : i64, sc.parallel_access}
      %add3A_122 = arith.constant 1 : i32
      %add3A_123 = arith.addi %mul3A_100, %add3A_122 : i32
      %add3A_124 = arith.constant 1 : i32
      %add3A_125 = arith.addi %add3A_123, %add3A_124 : i32
      %mul3A_126 = arith.constant 3200 : i32
      %mul3A_127 = arith.muli %add3A_125, %mul3A_126 : i32
      %dma_start3A_128 = tpu.memref_slice %arg3[%mul3A_127] : memref<320000xi32, #tpu.memory_space<hbm>> -> memref<3200xi32, #tpu.memory_space<hbm>>
      %dma_start3A_129 = tpu.memref_slice %arg3[%mul3A_127] : memref<320000xi32, #tpu.memory_space<hbm>> -> memref<3200xi32, #tpu.memory_space<hbm>>
      tpu.enqueue_dma source(%dma_start3A_129 : memref<3200xi32, #tpu.memory_space<hbm>>) target(%arg15 : memref<3200xi32, #tpu.memory_space<vmem>>) target_semaphore(%arg21 : memref<!tpu.dma_semaphore, #tpu.memory_space<semaphore_mem>>)
      %dma_start3A_130 = tpu.memref_slice %arg4[%mul3A_127] : memref<320000xi32, #tpu.memory_space<hbm>> -> memref<3200xi32, #tpu.memory_space<hbm>>
      %dma_start3A_131 = tpu.memref_slice %arg4[%mul3A_127] : memref<320000xi32, #tpu.memory_space<hbm>> -> memref<3200xi32, #tpu.memory_space<hbm>>
      tpu.enqueue_dma source(%dma_start3A_131 : memref<3200xi32, #tpu.memory_space<hbm>>) target(%arg16 : memref<3200xi32, #tpu.memory_space<vmem>>) target_semaphore(%arg21 : memref<!tpu.dma_semaphore, #tpu.memory_space<semaphore_mem>>)
      %dma_start3A_132 = tpu.memref_slice %arg5[%mul3A_127] : memref<320000xf32, #tpu.memory_space<hbm>> -> memref<3200xf32, #tpu.memory_space<hbm>>
      %dma_start3A_133 = tpu.memref_slice %arg5[%mul3A_127] : memref<320000xf32, #tpu.memory_space<hbm>> -> memref<3200xf32, #tpu.memory_space<hbm>>
      tpu.enqueue_dma source(%dma_start3A_133 : memref<3200xf32, #tpu.memory_space<hbm>>) target(%arg17 : memref<3200xf32, #tpu.memory_space<vmem>>) target_semaphore(%arg21 : memref<!tpu.dma_semaphore, #tpu.memory_space<semaphore_mem>>)
      %mul3A_134 = arith.constant 3200 : i32
      %mul3A_135 = arith.muli %add3A_123, %mul3A_134 : i32
      %dma_wait3A_136 = tpu.memref_slice %arg3[%mul3A_135] : memref<320000xi32, #tpu.memory_space<hbm>> -> memref<3200xi32, #tpu.memory_space<hbm>>
      %dma_wait3A_137 = tpu.memref_slice %arg3[%mul3A_135] : memref<320000xi32, #tpu.memory_space<hbm>> -> memref<3200xi32, #tpu.memory_space<hbm>>
      tpu.wait_dma2 semaphore(%arg22 : memref<!tpu.dma_semaphore, #tpu.memory_space<semaphore_mem>>) src(%dma_wait3A_137 : memref<3200xi32, #tpu.memory_space<hbm>>) dst(%arg18 : memref<3200xi32, #tpu.memory_space<vmem>>)
      %dma_wait3A_138 = tpu.memref_slice %arg4[%mul3A_135] : memref<320000xi32, #tpu.memory_space<hbm>> -> memref<3200xi32, #tpu.memory_space<hbm>>
      %dma_wait3A_139 = tpu.memref_slice %arg4[%mul3A_135] : memref<320000xi32, #tpu.memory_space<hbm>> -> memref<3200xi32, #tpu.memory_space<hbm>>
      tpu.wait_dma2 semaphore(%arg22 : memref<!tpu.dma_semaphore, #tpu.memory_space<semaphore_mem>>) src(%dma_wait3A_139 : memref<3200xi32, #tpu.memory_space<hbm>>) dst(%arg19 : memref<3200xi32, #tpu.memory_space<vmem>>)
      %dma_wait3A_140 = tpu.memref_slice %arg5[%mul3A_135] : memref<320000xf32, #tpu.memory_space<hbm>> -> memref<3200xf32, #tpu.memory_space<hbm>>
      %dma_wait3A_141 = tpu.memref_slice %arg5[%mul3A_135] : memref<320000xf32, #tpu.memory_space<hbm>> -> memref<3200xf32, #tpu.memory_space<hbm>>
      tpu.wait_dma2 semaphore(%arg22 : memref<!tpu.dma_semaphore, #tpu.memory_space<semaphore_mem>>) src(%dma_wait3A_141 : memref<3200xf32, #tpu.memory_space<hbm>>) dst(%arg20 : memref<3200xf32, #tpu.memory_space<vmem>>)
      %parallel_loop3A_142 = arith.constant 0 : i32
      %parallel_loop3A_143 = arith.constant 200 : i32
      %parallel_loop3A_144 = arith.constant 1 : i32
      scf.for %parallel_loop3A_145 = %parallel_loop3A_142 to %parallel_loop3A_143 step %parallel_loop3A_144  : i32 {
        %parallel_loop3A_146 = arith.constant 16 : i32
        %parallel_loop3A_147 = arith.muli %parallel_loop3A_145, %parallel_loop3A_146 : i32
        %parallel_loop3A_148 = arith.index_cast %parallel_loop3A_147 : i32 to index
        %parallel_loop3A_149 = tpu.vector_load %arg18[%parallel_loop3A_148] {strides = array<i32>} : memref<3200xi32, #tpu.memory_space<vmem>>, vector<16xi32>,
        %parallel_loop3A_150 = arith.index_cast %parallel_loop3A_147 : i32 to index
        %parallel_loop3A_151 = tpu.vector_load %arg19[%parallel_loop3A_150] {strides = array<i32>} : memref<3200xi32, #tpu.memory_space<vmem>>, vector<16xi32>,
        %parallel_loop3A_152 = arith.index_cast %parallel_loop3A_147 : i32 to index
        %parallel_loop3A_153 = tpu.vector_load %arg20[%parallel_loop3A_152] {strides = array<i32>} : memref<3200xf32, #tpu.memory_space<vmem>>, vector<16xf32>,
        %parallel_loop3A_154 = tpu.vector_load_idx %arg7[%parallel_loop3A_149] : memref<10240xf32, #tpu.memory_space<vmem>>[vector<16xi32>], vector<16xf32>,
        %parallel_loop3A_155 = arith.mulf %parallel_loop3A_154, %parallel_loop3A_153 : vector<16xf32>
        tpu.vector_store_idx %arg11[%parallel_loop3A_151], %parallel_loop3A_155 {add = true} : memref<10240xf32, #tpu.memory_space<vmem>>[vector<16xi32>], vector<16xf32>,
        %parallel_loop3A_156 = tpu.vector_load_idx %arg8[%parallel_loop3A_149] : memref<10240xf32, #tpu.memory_space<vmem>>[vector<16xi32>], vector<16xf32>,
        %parallel_loop3A_157 = arith.mulf %parallel_loop3A_156, %parallel_loop3A_153 : vector<16xf32>
        tpu.vector_store_idx %arg12[%parallel_loop3A_151], %parallel_loop3A_157 {add = true} : memref<10240xf32, #tpu.memory_space<vmem>>[vector<16xi32>], vector<16xf32>,
        %parallel_loop3A_158 = tpu.vector_load_idx %arg9[%parallel_loop3A_149] : memref<10240xf32, #tpu.memory_space<vmem>>[vector<16xi32>], vector<16xf32>,
        %parallel_loop3A_159 = arith.mulf %parallel_loop3A_158, %parallel_loop3A_153 : vector<16xf32>
        tpu.vector_store_idx %arg13[%parallel_loop3A_151], %parallel_loop3A_159 {add = true} : memref<10240xf32, #tpu.memory_space<vmem>>[vector<16xi32>], vector<16xf32>,
        %parallel_loop3A_160 = tpu.vector_load_idx %arg10[%parallel_loop3A_149] : memref<10240xf32, #tpu.memory_space<vmem>>[vector<16xi32>], vector<16xf32>,
        %parallel_loop3A_161 = arith.mulf %parallel_loop3A_160, %parallel_loop3A_153 : vector<16xf32>
        tpu.vector_store_idx %arg14[%parallel_loop3A_151], %parallel_loop3A_161 {add = true} : memref<10240xf32, #tpu.memory_space<vmem>>[vector<16xi32>], vector<16xf32>,
      } {sc.loop_unroll_factor = 4 : i64, sc.parallel_access}
    }
    %scan3A_41 = arith.constant 49 : i32
    %dma_start3A_42 = arith.constant 316800 : i32
    %dma_start3A_43 = tpu.memref_slice %arg3[%dma_start3A_42] : memref<320000xi32, #tpu.memory_space<hbm>> -> memref<3200xi32, #tpu.memory_space<hbm>>
    %dma_start3A_44 = arith.constant 316800 : i32
    %dma_start3A_45 = tpu.memref_slice %arg3[%dma_start3A_44] : memref<320000xi32, #tpu.memory_space<hbm>> -> memref<3200xi32, #tpu.memory_space<hbm>>
    tpu.enqueue_dma source(%dma_start3A_45 : memref<3200xi32, #tpu.memory_space<hbm>>) target(%arg18 : memref<3200xi32, #tpu.memory_space<vmem>>) target_semaphore(%arg22 : memref<!tpu.dma_semaphore, #tpu.memory_space<semaphore_mem>>)
    %dma_start3A_46 = arith.constant 316800 : i32
    %dma_start3A_47 = tpu.memref_slice %arg4[%dma_start3A_46] : memref<320000xi32, #tpu.memory_space<hbm>> -> memref<3200xi32, #tpu.memory_space<hbm>>
    %dma_start3A_48 = arith.constant 316800 : i32
    %dma_start3A_49 = tpu.memref_slice %arg4[%dma_start3A_48] : memref<320000xi32, #tpu.memory_space<hbm>> -> memref<3200xi32, #tpu.memory_space<hbm>>
    tpu.enqueue_dma source(%dma_start3A_49 : memref<3200xi32, #tpu.memory_space<hbm>>) target(%arg19 : memref<3200xi32, #tpu.memory_space<vmem>>) target_semaphore(%arg22 : memref<!tpu.dma_semaphore, #tpu.memory_space<semaphore_mem>>)
    %dma_start3A_50 = arith.constant 316800 : i32
    %dma_start3A_51 = tpu.memref_slice %arg5[%dma_start3A_50] : memref<320000xf32, #tpu.memory_space<hbm>> -> memref<3200xf32, #tpu.memory_space<hbm>>
    %dma_start3A_52 = arith.constant 316800 : i32
    %dma_start3A_53 = tpu.memref_slice %arg5[%dma_start3A_52] : memref<320000xf32, #tpu.memory_space<hbm>> -> memref<3200xf32, #tpu.memory_space<hbm>>
    tpu.enqueue_dma source(%dma_start3A_53 : memref<3200xf32, #tpu.memory_space<hbm>>) target(%arg20 : memref<3200xf32, #tpu.memory_space<vmem>>) target_semaphore(%arg22 : memref<!tpu.dma_semaphore, #tpu.memory_space<semaphore_mem>>)
    %dma_wait3A = arith.constant 313600 : i32
    %dma_wait3A_54 = tpu.memref_slice %arg3[%dma_wait3A] : memref<320000xi32, #tpu.memory_space<hbm>> -> memref<3200xi32, #tpu.memory_space<hbm>>
    %dma_wait3A_55 = arith.constant 313600 : i32
    %dma_wait3A_56 = tpu.memref_slice %arg3[%dma_wait3A_55] : memref<320000xi32, #tpu.memory_space<hbm>> -> memref<3200xi32, #tpu.memory_space<hbm>>
    tpu.wait_dma2 semaphore(%arg21 : memref<!tpu.dma_semaphore, #tpu.memory_space<semaphore_mem>>) src(%dma_wait3A_56 : memref<3200xi32, #tpu.memory_space<hbm>>) dst(%arg15 : memref<3200xi32, #tpu.memory_space<vmem>>)
    %dma_wait3A_57 = arith.constant 313600 : i32
    %dma_wait3A_58 = tpu.memref_slice %arg4[%dma_wait3A_57] : memref<320000xi32, #tpu.memory_space<hbm>> -> memref<3200xi32, #tpu.memory_space<hbm>>
    %dma_wait3A_59 = arith.constant 313600 : i32
    %dma_wait3A_60 = tpu.memref_slice %arg4[%dma_wait3A_59] : memref<320000xi32, #tpu.memory_space<hbm>> -> memref<3200xi32, #tpu.memory_space<hbm>>
    tpu.wait_dma2 semaphore(%arg21 : memref<!tpu.dma_semaphore, #tpu.memory_space<semaphore_mem>>) src(%dma_wait3A_60 : memref<3200xi32, #tpu.memory_space<hbm>>) dst(%arg16 : memref<3200xi32, #tpu.memory_space<vmem>>)
    %dma_wait3A_61 = arith.constant 313600 : i32
    %dma_wait3A_62 = tpu.memref_slice %arg5[%dma_wait3A_61] : memref<320000xf32, #tpu.memory_space<hbm>> -> memref<3200xf32, #tpu.memory_space<hbm>>
    %dma_wait3A_63 = arith.constant 313600 : i32
    %dma_wait3A_64 = tpu.memref_slice %arg5[%dma_wait3A_63] : memref<320000xf32, #tpu.memory_space<hbm>> -> memref<3200xf32, #tpu.memory_space<hbm>>
    tpu.wait_dma2 semaphore(%arg21 : memref<!tpu.dma_semaphore, #tpu.memory_space<semaphore_mem>>) src(%dma_wait3A_64 : memref<3200xf32, #tpu.memory_space<hbm>>) dst(%arg17 : memref<3200xf32, #tpu.memory_space<vmem>>)
    %parallel_loop3A = arith.constant 0 : i32
    %parallel_loop3A_65 = arith.constant 200 : i32
    %parallel_loop3A_66 = arith.constant 1 : i32
    scf.for %parallel_loop3A_98 = %parallel_loop3A to %parallel_loop3A_65 step %parallel_loop3A_66  : i32 {
      %parallel_loop3A_99 = arith.constant 16 : i32
      %parallel_loop3A_100 = arith.muli %parallel_loop3A_98, %parallel_loop3A_99 : i32
      %parallel_loop3A_101 = arith.index_cast %parallel_loop3A_100 : i32 to index
      %parallel_loop3A_102 = tpu.vector_load %arg15[%parallel_loop3A_101] {strides = array<i32>} : memref<3200xi32, #tpu.memory_space<vmem>>, vector<16xi32>,
      %parallel_loop3A_103 = arith.index_cast %parallel_loop3A_100 : i32 to index
      %parallel_loop3A_104 = tpu.vector_load %arg16[%parallel_loop3A_103] {strides = array<i32>} : memref<3200xi32, #tpu.memory_space<vmem>>, vector<16xi32>,
      %parallel_loop3A_105 = arith.index_cast %parallel_loop3A_100 : i32 to index
      %parallel_loop3A_106 = tpu.vector_load %arg17[%parallel_loop3A_105] {strides = array<i32>} : memref<3200xf32, #tpu.memory_space<vmem>>, vector<16xf32>,
      %parallel_loop3A_107 = tpu.vector_load_idx %arg7[%parallel_loop3A_102] : memref<10240xf32, #tpu.memory_space<vmem>>[vector<16xi32>], vector<16xf32>,
      %parallel_loop3A_108 = arith.mulf %parallel_loop3A_107, %parallel_loop3A_106 : vector<16xf32>
      tpu.vector_store_idx %arg11[%parallel_loop3A_104], %parallel_loop3A_108 {add = true} : memref<10240xf32, #tpu.memory_space<vmem>>[vector<16xi32>], vector<16xf32>,
      %parallel_loop3A_109 = tpu.vector_load_idx %arg8[%parallel_loop3A_102] : memref<10240xf32, #tpu.memory_space<vmem>>[vector<16xi32>], vector<16xf32>,
      %parallel_loop3A_110 = arith.mulf %parallel_loop3A_109, %parallel_loop3A_106 : vector<16xf32>
      tpu.vector_store_idx %arg12[%parallel_loop3A_104], %parallel_loop3A_110 {add = true} : memref<10240xf32, #tpu.memory_space<vmem>>[vector<16xi32>], vector<16xf32>,
      %parallel_loop3A_111 = tpu.vector_load_idx %arg9[%parallel_loop3A_102] : memref<10240xf32, #tpu.memory_space<vmem>>[vector<16xi32>], vector<16xf32>,
      %parallel_loop3A_112 = arith.mulf %parallel_loop3A_111, %parallel_loop3A_106 : vector<16xf32>
      tpu.vector_store_idx %arg13[%parallel_loop3A_104], %parallel_loop3A_112 {add = true} : memref<10240xf32, #tpu.memory_space<vmem>>[vector<16xi32>], vector<16xf32>,
      %parallel_loop3A_113 = tpu.vector_load_idx %arg10[%parallel_loop3A_102] : memref<10240xf32, #tpu.memory_space<vmem>>[vector<16xi32>], vector<16xf32>,
      %parallel_loop3A_114 = arith.mulf %parallel_loop3A_113, %parallel_loop3A_106 : vector<16xf32>
      tpu.vector_store_idx %arg14[%parallel_loop3A_104], %parallel_loop3A_114 {add = true} : memref<10240xf32, #tpu.memory_space<vmem>>[vector<16xi32>], vector<16xf32>,
    } {sc.loop_unroll_factor = 4 : i64, sc.parallel_access}
    %dma_wait3A_67 = arith.constant 316800 : i32
    %dma_wait3A_68 = tpu.memref_slice %arg3[%dma_wait3A_67] : memref<320000xi32, #tpu.memory_space<hbm>> -> memref<3200xi32, #tpu.memory_space<hbm>>
    %dma_wait3A_69 = arith.constant 316800 : i32
    %dma_wait3A_70 = tpu.memref_slice %arg3[%dma_wait3A_69] : memref<320000xi32, #tpu.memory_space<hbm>> -> memref<3200xi32, #tpu.memory_space<hbm>>
    tpu.wait_dma2 semaphore(%arg22 : memref<!tpu.dma_semaphore, #tpu.memory_space<semaphore_mem>>) src(%dma_wait3A_70 : memref<3200xi32, #tpu.memory_space<hbm>>) dst(%arg18 : memref<3200xi32, #tpu.memory_space<vmem>>)
    %dma_wait3A_71 = arith.constant 316800 : i32
    %dma_wait3A_72 = tpu.memref_slice %arg4[%dma_wait3A_71] : memref<320000xi32, #tpu.memory_space<hbm>> -> memref<3200xi32, #tpu.memory_space<hbm>>
    %dma_wait3A_73 = arith.constant 316800 : i32
    %dma_wait3A_74 = tpu.memref_slice %arg4[%dma_wait3A_73] : memref<320000xi32, #tpu.memory_space<hbm>> -> memref<3200xi32, #tpu.memory_space<hbm>>
    tpu.wait_dma2 semaphore(%arg22 : memref<!tpu.dma_semaphore, #tpu.memory_space<semaphore_mem>>) src(%dma_wait3A_74 : memref<3200xi32, #tpu.memory_space<hbm>>) dst(%arg19 : memref<3200xi32, #tpu.memory_space<vmem>>)
    %dma_wait3A_75 = arith.constant 316800 : i32
    %dma_wait3A_76 = tpu.memref_slice %arg5[%dma_wait3A_75] : memref<320000xf32, #tpu.memory_space<hbm>> -> memref<3200xf32, #tpu.memory_space<hbm>>
    %dma_wait3A_77 = arith.constant 316800 : i32
    %dma_wait3A_78 = tpu.memref_slice %arg5[%dma_wait3A_77] : memref<320000xf32, #tpu.memory_space<hbm>> -> memref<3200xf32, #tpu.memory_space<hbm>>
    tpu.wait_dma2 semaphore(%arg22 : memref<!tpu.dma_semaphore, #tpu.memory_space<semaphore_mem>>) src(%dma_wait3A_78 : memref<3200xf32, #tpu.memory_space<hbm>>) dst(%arg20 : memref<3200xf32, #tpu.memory_space<vmem>>)
    %parallel_loop3A_79 = arith.constant 0 : i32
    %parallel_loop3A_80 = arith.constant 200 : i32
    %parallel_loop3A_81 = arith.constant 1 : i32
    scf.for %parallel_loop3A_98 = %parallel_loop3A_79 to %parallel_loop3A_80 step %parallel_loop3A_81  : i32 {
      %parallel_loop3A_99 = arith.constant 16 : i32
      %parallel_loop3A_100 = arith.muli %parallel_loop3A_98, %parallel_loop3A_99 : i32
      %parallel_loop3A_101 = arith.index_cast %parallel_loop3A_100 : i32 to index
      %parallel_loop3A_102 = tpu.vector_load %arg18[%parallel_loop3A_101] {strides = array<i32>} : memref<3200xi32, #tpu.memory_space<vmem>>, vector<16xi32>,
      %parallel_loop3A_103 = arith.index_cast %parallel_loop3A_100 : i32 to index
      %parallel_loop3A_104 = tpu.vector_load %arg19[%parallel_loop3A_103] {strides = array<i32>} : memref<3200xi32, #tpu.memory_space<vmem>>, vector<16xi32>,
      %parallel_loop3A_105 = arith.index_cast %parallel_loop3A_100 : i32 to index
      %parallel_loop3A_106 = tpu.vector_load %arg20[%parallel_loop3A_105] {strides = array<i32>} : memref<3200xf32, #tpu.memory_space<vmem>>, vector<16xf32>,
      %parallel_loop3A_107 = tpu.vector_load_idx %arg7[%parallel_loop3A_102] : memref<10240xf32, #tpu.memory_space<vmem>>[vector<16xi32>], vector<16xf32>,
      %parallel_loop3A_108 = arith.mulf %parallel_loop3A_107, %parallel_loop3A_106 : vector<16xf32>
      tpu.vector_store_idx %arg11[%parallel_loop3A_104], %parallel_loop3A_108 {add = true} : memref<10240xf32, #tpu.memory_space<vmem>>[vector<16xi32>], vector<16xf32>,
      %parallel_loop3A_109 = tpu.vector_load_idx %arg8[%parallel_loop3A_102] : memref<10240xf32, #tpu.memory_space<vmem>>[vector<16xi32>], vector<16xf32>,
      %parallel_loop3A_110 = arith.mulf %parallel_loop3A_109, %parallel_loop3A_106 : vector<16xf32>
      tpu.vector_store_idx %arg12[%parallel_loop3A_104], %parallel_loop3A_110 {add = true} : memref<10240xf32, #tpu.memory_space<vmem>>[vector<16xi32>], vector<16xf32>,
      %parallel_loop3A_111 = tpu.vector_load_idx %arg9[%parallel_loop3A_102] : memref<10240xf32, #tpu.memory_space<vmem>>[vector<16xi32>], vector<16xf32>,
      %parallel_loop3A_112 = arith.mulf %parallel_loop3A_111, %parallel_loop3A_106 : vector<16xf32>
      tpu.vector_store_idx %arg13[%parallel_loop3A_104], %parallel_loop3A_112 {add = true} : memref<10240xf32, #tpu.memory_space<vmem>>[vector<16xi32>], vector<16xf32>,
      %parallel_loop3A_113 = tpu.vector_load_idx %arg10[%parallel_loop3A_102] : memref<10240xf32, #tpu.memory_space<vmem>>[vector<16xi32>], vector<16xf32>,
      %parallel_loop3A_114 = arith.mulf %parallel_loop3A_113, %parallel_loop3A_106 : vector<16xf32>
      tpu.vector_store_idx %arg14[%parallel_loop3A_104], %parallel_loop3A_114 {add = true} : memref<10240xf32, #tpu.memory_space<vmem>>[vector<16xi32>], vector<16xf32>,
    } {sc.loop_unroll_factor = 4 : i64, sc.parallel_access}
    %add3A_82 = arith.constant 0 : i32
    %add3A_83 = arith.addi %mul3A_2, %add3A_82 : i32
    %mul3A_84 = arith.constant 10240 : i32
    %mul3A_85 = arith.muli %add3A_83, %mul3A_84 : i32
    "tpu.region"() ({
      %run_scoped3A = tpu.sem_alloc : memref<!tpu.dma_semaphore, #tpu.memory_space<semaphore_mem>>
      %dma_start3A_98 = tpu.memref_slice %arg6[%mul3A_85] : memref<1310720xf32, #tpu.memory_space<hbm>> -> memref<10240xf32, #tpu.memory_space<hbm>>
      %dma_start3A_99 = tpu.memref_slice %arg6[%mul3A_85] : memref<1310720xf32, #tpu.memory_space<hbm>> -> memref<10240xf32, #tpu.memory_space<hbm>>
      tpu.enqueue_dma source(%arg11 : memref<10240xf32, #tpu.memory_space<vmem>>) target(%dma_start3A_99 : memref<10240xf32, #tpu.memory_space<hbm>>) target_semaphore(%run_scoped3A : memref<!tpu.dma_semaphore, #tpu.memory_space<semaphore_mem>>)
      %dma_wait3A_100 = tpu.memref_slice %arg6[%mul3A_85] : memref<1310720xf32, #tpu.memory_space<hbm>> -> memref<10240xf32, #tpu.memory_space<hbm>>
      %dma_wait3A_101 = tpu.memref_slice %arg6[%mul3A_85] : memref<1310720xf32, #tpu.memory_space<hbm>> -> memref<10240xf32, #tpu.memory_space<hbm>>
      tpu.wait_dma2 semaphore(%run_scoped3A : memref<!tpu.dma_semaphore, #tpu.memory_space<semaphore_mem>>) src(%arg11 : memref<10240xf32, #tpu.memory_space<vmem>>) dst(%dma_wait3A_101 : memref<10240xf32, #tpu.memory_space<hbm>>)
      tpu.yield
    }) : () -> ()
    %add3A_86 = arith.constant 1 : i32
    %add3A_87 = arith.addi %mul3A_2, %add3A_86 : i32
    %mul3A_88 = arith.constant 10240 : i32
    %mul3A_89 = arith.muli %add3A_87, %mul3A_88 : i32
    "tpu.region"() ({
      %run_scoped3A = tpu.sem_alloc : memref<!tpu.dma_semaphore, #tpu.memory_space<semaphore_mem>>
      %dma_start3A_98 = tpu.memref_slice %arg6[%mul3A_89] : memref<1310720xf32, #tpu.memory_space<hbm>> -> memref<10240xf32, #tpu.memory_space<hbm>>
      %dma_start3A_99 = tpu.memref_slice %arg6[%mul3A_89] : memref<1310720xf32, #tpu.memory_space<hbm>> -> memref<10240xf32, #tpu.memory_space<hbm>>
      tpu.enqueue_dma source(%arg12 : memref<10240xf32, #tpu.memory_space<vmem>>) target(%dma_start3A_99 : memref<10240xf32, #tpu.memory_space<hbm>>) target_semaphore(%run_scoped3A : memref<!tpu.dma_semaphore, #tpu.memory_space<semaphore_mem>>)
      %dma_wait3A_100 = tpu.memref_slice %arg6[%mul3A_89] : memref<1310720xf32, #tpu.memory_space<hbm>> -> memref<10240xf32, #tpu.memory_space<hbm>>
      %dma_wait3A_101 = tpu.memref_slice %arg6[%mul3A_89] : memref<1310720xf32, #tpu.memory_space<hbm>> -> memref<10240xf32, #tpu.memory_space<hbm>>
      tpu.wait_dma2 semaphore(%run_scoped3A : memref<!tpu.dma_semaphore, #tpu.memory_space<semaphore_mem>>) src(%arg12 : memref<10240xf32, #tpu.memory_space<vmem>>) dst(%dma_wait3A_101 : memref<10240xf32, #tpu.memory_space<hbm>>)
      tpu.yield
    }) : () -> ()
    %add3A_90 = arith.constant 2 : i32
    %add3A_91 = arith.addi %mul3A_2, %add3A_90 : i32
    %mul3A_92 = arith.constant 10240 : i32
    %mul3A_93 = arith.muli %add3A_91, %mul3A_92 : i32
    "tpu.region"() ({
      %run_scoped3A = tpu.sem_alloc : memref<!tpu.dma_semaphore, #tpu.memory_space<semaphore_mem>>
      %dma_start3A_98 = tpu.memref_slice %arg6[%mul3A_93] : memref<1310720xf32, #tpu.memory_space<hbm>> -> memref<10240xf32, #tpu.memory_space<hbm>>
      %dma_start3A_99 = tpu.memref_slice %arg6[%mul3A_93] : memref<1310720xf32, #tpu.memory_space<hbm>> -> memref<10240xf32, #tpu.memory_space<hbm>>
      tpu.enqueue_dma source(%arg13 : memref<10240xf32, #tpu.memory_space<vmem>>) target(%dma_start3A_99 : memref<10240xf32, #tpu.memory_space<hbm>>) target_semaphore(%run_scoped3A : memref<!tpu.dma_semaphore, #tpu.memory_space<semaphore_mem>>)
      %dma_wait3A_100 = tpu.memref_slice %arg6[%mul3A_93] : memref<1310720xf32, #tpu.memory_space<hbm>> -> memref<10240xf32, #tpu.memory_space<hbm>>
      %dma_wait3A_101 = tpu.memref_slice %arg6[%mul3A_93] : memref<1310720xf32, #tpu.memory_space<hbm>> -> memref<10240xf32, #tpu.memory_space<hbm>>
      tpu.wait_dma2 semaphore(%run_scoped3A : memref<!tpu.dma_semaphore, #tpu.memory_space<semaphore_mem>>) src(%arg13 : memref<10240xf32, #tpu.memory_space<vmem>>) dst(%dma_wait3A_101 : memref<10240xf32, #tpu.memory_space<hbm>>)
      tpu.yield
    }) : () -> ()
    %add3A_94 = arith.constant 3 : i32
    %add3A_95 = arith.addi %mul3A_2, %add3A_94 : i32
    %mul3A_96 = arith.constant 10240 : i32
    %mul3A_97 = arith.muli %add3A_95, %mul3A_96 : i32
    "tpu.region"() ({
      %run_scoped3A = tpu.sem_alloc : memref<!tpu.dma_semaphore, #tpu.memory_space<semaphore_mem>>
      %dma_start3A_98 = tpu.memref_slice %arg6[%mul3A_97] : memref<1310720xf32, #tpu.memory_space<hbm>> -> memref<10240xf32, #tpu.memory_space<hbm>>
      %dma_start3A_99 = tpu.memref_slice %arg6[%mul3A_97] : memref<1310720xf32, #tpu.memory_space<hbm>> -> memref<10240xf32, #tpu.memory_space<hbm>>
      tpu.enqueue_dma source(%arg14 : memref<10240xf32, #tpu.memory_space<vmem>>) target(%dma_start3A_99 : memref<10240xf32, #tpu.memory_space<hbm>>) target_semaphore(%run_scoped3A : memref<!tpu.dma_semaphore, #tpu.memory_space<semaphore_mem>>)
      %dma_wait3A_100 = tpu.memref_slice %arg6[%mul3A_97] : memref<1310720xf32, #tpu.memory_space<hbm>> -> memref<10240xf32, #tpu.memory_space<hbm>>
      %dma_wait3A_101 = tpu.memref_slice %arg6[%mul3A_97] : memref<1310720xf32, #tpu.memory_space<hbm>> -> memref<10240xf32, #tpu.memory_space<hbm>>
      tpu.wait_dma2 semaphore(%run_scoped3A : memref<!tpu.dma_semaphore, #tpu.memory_space<semaphore_mem>>) src(%arg14 : memref<10240xf32, #tpu.memory_space<vmem>>) dst(%dma_wait3A_101 : memref<10240xf32, #tpu.memory_space<hbm>>)
      tpu.yield
    }) : () -> ()
    return
  }
}

module attributes {stable_mosaic.version = 14 : i64} {
  func.func @_tc_body(%arg0: i32, %arg1: memref<128x512xf32, #tpu.memory_space<vmem>>, %arg2: memref<512x8xf32, #tpu.memory_space<vmem>>, %arg3: memref<8x128xf32, #tpu.memory_space<vmem>>, %arg4: memref<128x128xf32, #tpu.memory_space<vmem>>, %arg5: memref<512x128xf32, #tpu.memory_space<vmem>>) attributes {dimension_semantics = [#tpu.dimension_semantics<arbitrary>], iteration_bounds = array<i64: 20>, scalar_prefetch = 0 : i64, scratch_operands = 0 : i64, tpu.core_type = #tpu.core_type<tc>, window_params = [{transform_indices = @transform_0, window_bounds = array<i64: 128, 512>}, {transform_indices = @transform_1, window_bounds = array<i64: 512, 8>}, {pipeline_mode = #tpu.pipeline_mode<synchronous>, transform_indices = @transform_2, window_bounds = array<i64: 8, 128>}, {pipeline_mode = #tpu.pipeline_mode<synchronous>, transform_indices = @transform_3, window_bounds = array<i64: 128, 128>}, {transform_indices = @transform_4, window_bounds = array<i64: 512, 128>}]} {
    %get3A = arith.constant 0 : index
    %get3A_0 = arith.constant 0 : index
    %get3A_1 = vector.load %arg1[%get3A, %get3A_0] : memref<128x512xf32, #tpu.memory_space<vmem>>, vector<128x512xf32>
    %transpose3A = tpu.transpose %get3A_1, [1, 0] : vector<128x512xf32> -> vector<512x128xf32>
    %mul3A = arith.constant 0.899999976 : f32
    %mul3A_2 = vector.broadcast %mul3A : f32 to vector<512x128xf32>
    %mul3A_3 = arith.mulf %mul3A_2, %transpose3A : vector<512x128xf32>
    %get3A_4 = arith.constant 0 : index
    %get3A_5 = arith.constant 0 : index
    %get3A_6 = vector.load %arg2[%get3A_4, %get3A_5] : memref<512x8xf32, #tpu.memory_space<vmem>>, vector<512x8xf32>
    %get3A_7 = arith.constant 0 : index
    %get3A_8 = arith.constant 0 : index
    %get3A_9 = vector.load %arg3[%get3A_7, %get3A_8] : memref<8x128xf32, #tpu.memory_space<vmem>>, vector<8x128xf32>
    %dot_general3A = arith.constant dense<0.000000e+00> : vector<512x128xf32>
    %dot_general3A_10 = tpu.matmul %get3A_6, %get3A_9, %dot_general3A {dimension_numbers = #tpu.dot_dimension_numbers<[1], [0], [0], [1], [0, 0, 1, 1], [], []>, transpose_lhs_hint = false} : vector<512x8xf32>, vector<8x128xf32>, vector<512x128xf32> -> vector<512x128xf32>
    %mul3A_11 = arith.constant 1.000000e-01 : f32
    %mul3A_12 = vector.broadcast %mul3A_11 : f32 to vector<512x128xf32>
    %mul3A_13 = arith.mulf %mul3A_12, %dot_general3A_10 : vector<512x128xf32>
    %add3A = arith.addf %mul3A_3, %mul3A_13 : vector<512x128xf32>
    %get3A_14 = arith.constant 0 : index
    %get3A_15 = arith.constant 0 : index
    %get3A_16 = vector.load %arg4[%get3A_14, %get3A_15] : memref<128x128xf32, #tpu.memory_space<vmem>>, vector<128x128xf32>
    %dot_general3A_17 = arith.constant dense<0.000000e+00> : vector<512x128xf32>
    %dot_general3A_18 = tpu.matmul %add3A, %get3A_16, %dot_general3A_17 {dimension_numbers = #tpu.dot_dimension_numbers<[1], [0], [0], [1], [0, 0, 1, 1], [], []>, transpose_lhs_hint = false} : vector<512x128xf32>, vector<128x128xf32>, vector<512x128xf32> -> vector<512x128xf32>
    %max3A = arith.constant 0.000000e+00 : f32
    %max3A_19 = vector.broadcast %max3A : f32 to vector<512x128xf32>
    %max3A_20 = arith.maximumf %dot_general3A_18, %max3A_19 : vector<512x128xf32>
    %swap3A = arith.constant 0 : index
    %swap3A_21 = arith.constant 0 : index
    %swap3A_22 = vector.load %arg5[%swap3A, %swap3A_21] : memref<512x128xf32, #tpu.memory_space<vmem>>, vector<512x128xf32>
    tpu.vector_store %arg5[%swap3A, %swap3A_21], %max3A_20 {strides = array<i32>} : memref<512x128xf32, #tpu.memory_space<vmem>>, vector<512x128xf32>,
    return
  }
  func.func @transform_0(%arg0: i32) -> (i32, i32) {
    %c0_i32 = arith.constant 0 : i32
    %c0_i32_0 = arith.constant 0 : i32
    return %c0_i32, %arg0 : i32, i32
  }
  func.func @transform_1(%arg0: i32) -> (i32, i32) {
    %c0_i32 = arith.constant 0 : i32
    %c0_i32_0 = arith.constant 0 : i32
    return %arg0, %c0_i32 : i32, i32
  }
  func.func @transform_2(%arg0: i32) -> (i32, i32) {
    %c0_i32 = arith.constant 0 : i32
    %c0_i32_0 = arith.constant 0 : i32
    %c0_i32_1 = arith.constant 0 : i32
    return %c0_i32, %c0_i32_0 : i32, i32
  }
  func.func @transform_3(%arg0: i32) -> (i32, i32) {
    %c0_i32 = arith.constant 0 : i32
    %c0_i32_0 = arith.constant 0 : i32
    %c0_i32_1 = arith.constant 0 : i32
    return %c0_i32, %c0_i32_0 : i32, i32
  }
  func.func @transform_4(%arg0: i32) -> (i32, i32) {
    %c0_i32 = arith.constant 0 : i32
    %c0_i32_0 = arith.constant 0 : i32
    return %arg0, %c0_i32 : i32, i32
  }
}

</mosaic_0001>

<sc_bundles>
// kernel: kernel.4.cloned.1.call-start
scs
__scs_entry_jumppad:
0x0: {  	(pc) =	sbr.rel $0x88, $3  }
0x1: {  	(tag) =	ssettag $0x0;
	lr =	simm.s32 $0x1  }
0x2: {  	[smem:$0x3F9B] =	sst lr;
	_ =	strace $0xD0000000  }
0x3: {  	_ = 	snop  }
0x4: {  	_ = 	snop  }
0x5: {  	_ = 	snop  }
0x6: {  	_ = 	snop  }
0x7: {  	_ = 	snop  }
__scs_overlays_trampoline_lowered:
0x8: {  	[smem:$0x3FAA] =	sst s0  }
0x9: {  	[smem:$0x3FAB] =	sst s1  }
0xa: {  	[smem:$0x3FAC] =	sst s2  }
0xb: {  	[smem:$0x3FAD] =	sst s3  }
0xc: {  	[smem:$0x3FAE] =	sst s4  }
0xd: {  	[smem:$0x3FAF] =	sst s5  }
0xe: {  	[smem:$0x3FB0] =	sst s6  }
0xf: {  	[smem:$0x3FB1] =	sst s7  }
0x10: {  	[smem:$0x3FB2] =	sst s8  }
0x11: {  	[smem:$0x3FB3] =	sst s9;
	s0 =	simm.s32 @!p0 $0x0  }
0x12: {  	s1 =	sld [smem:$0x3F99];
	s0 =	simm.s32 @p0 $0x1  }
0x13: {  	[smem:$0x3FB4] =	sst s0;
	s0 =	simm.s32 @!p1 $0x0  }
0x14: {  	s2 =	sld [smem:$0x3F98];
	s0 =	simm.s32 @p1 $0x1  }
0x15: {  	[smem:$0x3FB5] =	sst s0;
	s0 =	simm.s32 @!p2 $0x0  }
0x16: {  	s3 =	sld [smem:$0x3FDB];
	s0 =	simm.s32 @p2 $0x1  }
0x17: {  	s4 =	simm.s32 $0x1BF5;
	[smem:$0x3FB7] =	sst s0  }
0x18: {  	s0 =	sld [smem:$0x3F9A];
	_ =	swait.ge [sflag:s4], $0x0  }
0x19: {  	s7 =	sld [smem:$0x3F9B]  }
0x1a: {  	s8 =	sadd.s32 $0xFFFFE003, lr  }
0x1b: {  	s9 =	sadd.s32 $0xFFFFFEF7, lr;
	s5 =	simm.s32 $0xFFFFFFFF;
	p2 =	slt.u32 s8, $0xFFFFF086  }
0x1c: {  	p1 =	slt.u32 s9, $0xF7A;
	s5 =	simm.s32 @!p2 $0x0  }
0x1d: {  	s5 =	simm.s32 @p1 $0x1;
	p0 =	seq.s32 s7, s2  }
0x1e: {  	s7 =	smul.u32 @!p0 $0xF7A, s2;
	p2 =	seq.s32 @!p0 s5, $0x0  }
0x1f: {  	s9 =	smul.u32 $0xF7A, s1;
	s8 =	simm.s32 @!p0 $0x1BF5;
	p2 =	por !p2, p0  }
0x20: {  	[sflag:s8] =	ssyncset.s32 @!p0 $0xFFFFF086;
	s6 =	sadd.s32 @!p0 s3, s7;
	s7 =	simm.s32 @!p0 $0x108  }
0x21: {  	s3 =	sadd.s32 s3, s9;
	s6 =	sadd.s32 @!p0 $0x88, s6;
	s7 =	simm.s32 @p2 $0x1082  }
0x22: {  	[simem:s7], [sflag:s8] =	dma.local @!p0 [hbm:s6], $0xF7A  }
0x23: {  	s9 =	sor.u32 $0xD0000000, s2;
	s6 =	simm.s32 $0x108;
	_ =	swait.ge @!p0 [sflag:s8], $0x0  }
0x24: {  	s3 =	sadd.s32 $0x88, s3;
	s6 =	simm.s32 @!p1 $0x1082;
	[sflag:s4] =	ssyncset.s32 $0xFFFFF086  }
0x25: {  	[simem:s6], [sflag:s4] =	dma.local [hbm:s3], $0xF7A  }
0x26: {  	[smem:$0x3F9B] =	sst s1;
	(tag) =	ssettag s2;
	_ =	strace s9  }
0x27: {  	s1 =	sld [smem:$0x3FAB]  }
0x28: {  	s2 =	sld [smem:$0x3FAC]  }
0x29: {  	s4 =	sld [smem:$0x3FAE]  }
0x2a: {  	p0 =	seq.s32 s5, $0x0;
	s5 =	sld [smem:$0x3FAF]  }
0x2b: {  	s6 =	sld [smem:$0x3FB0]  }
0x2c: {  	s7 =	sld [smem:$0x3FB1]  }
0x2d: {  	s3 =	simm.s32 $0x108;
	s8 =	sld [smem:$0x3FB2]  }
0x2e: {  	s3 =	simm.s32 @!p0 $0x1082;
	s9 =	sld [smem:$0x3FB3]  }
0x2f: {  	lr =	sadd.s32 s0, s3;
	s0 =	sld [smem:$0x3FAA]  }
0x30: {  	s3 =	sld [smem:$0x3FAD]  }
0x31: {  	[smem:$0x3FB6] =	sst s10  }
0x32: {  	s10 =	sld [smem:$0x3FB4];
	_ =	sdelay $0x3  }
0x33: {  	p0 =	seq.s32 s10, $0x1;
	s10 =	sld [smem:$0x3FB6];
	_ =	sdelay $0x3  }
0x34: {  	[smem:$0x3FB6] =	sst s10  }
0x35: {  	s10 =	sld [smem:$0x3FB5];
	_ =	sdelay $0x3  }
0x36: {  	p1 =	seq.s32 s10, $0x1;
	s10 =	sld [smem:$0x3FB6];
	_ =	sdelay $0x3  }
0x37: {  	[smem:$0x3FB6] =	sst s10  }
0x38: {  	s10 =	sld [smem:$0x3FB7]  }
0x39: {  	_ = 	snop;
	(pc) =	sbr.ind lr, $3  }
0x3a: {  	_ = 	snop  }
0x3b: {  	_ = 	snop  }
0x3c: {  	p2 =	seq.s32 s10, $0x1;
	s10 =	sld [smem:$0x3FB6]  }
0x3d: {  	_ =	shalt  }
0x3e: {  	_ =	shalt  }
0x3f: {  	_ =	shalt  }
0x40: {  	_ =	shalt  }
0x41: {  	_ =	shalt  }
0x42: {  	_ =	shalt  }
0x43: {  	_ =	shalt  }
0x44: {  	_ =	shalt  }
0x45: {  	_ =	shalt  }
0x46: {  	_ =	shalt  }
0x47: {  	_ =	shalt  }
0x48: {  	_ =	shalt  }
0x49: {  	_ =	shalt  }
0x4a: {  	_ =	shalt  }
0x4b: {  	_ =	shalt  }
0x4c: {  	_ =	shalt  }
0x4d: {  	_ =	shalt  }
0x4e: {  	_ =	shalt  }
0x4f: {  	_ =	shalt  }
0x50: {  	_ =	shalt  }
0x51: {  	_ =	shalt  }
0x52: {  	_ =	shalt  }
0x53: {  	_ =	shalt  }
0x54: {  	_ =	shalt  }
0x55: {  	_ =	shalt  }
0x56: {  	_ =	shalt  }
0x57: {  	_ =	shalt  }
0x58: {  	_ =	shalt  }
0x59: {  	_ =	shalt  }
0x5a: {  	_ =	shalt  }
0x5b: {  	_ =	shalt  }
0x5c: {  	_ =	shalt  }
0x5d: {  	_ =	shalt  }
0x5e: {  	_ =	shalt  }
0x5f: {  	_ =	shalt  }
0x60: {  	_ =	shalt  }
0x61: {  	_ =	shalt  }
0x62: {  	_ =	shalt  }
0x63: {  	_ =	shalt  }
0x64: {  	_ =	shalt  }
0x65: {  	_ =	shalt  }
0x66: {  	_ =	shalt  }
0x67: {  	_ =	shalt  }
0x68: {  	_ =	shalt  }
0x69: {  	_ =	shalt  }
0x6a: {  	_ =	shalt  }
0x6b: {  	_ =	shalt  }
0x6c: {  	_ =	shalt  }
0x6d: {  	_ =	shalt  }
0x6e: {  	_ =	shalt  }
0x6f: {  	_ =	shalt  }
0x70: {  	_ =	shalt  }
0x71: {  	_ =	shalt  }
0x72: {  	_ =	shalt  }
0x73: {  	_ =	shalt  }
0x74: {  	_ =	shalt  }
0x75: {  	_ =	shalt  }
0x76: {  	_ =	shalt  }
0x77: {  	_ =	shalt  }
0x78: {  	_ =	shalt  }
0x79: {  	_ =	shalt  }
0x7a: {  	_ =	shalt  }
0x7b: {  	_ =	shalt  }
0x7c: {  	_ =	shalt  }
0x7d: {  	_ =	shalt  }
0x7e: {  	_ =	shalt  }
0x7f: {  	_ =	shalt  }
0x80: {  	_ =	shalt  }
0x81: {  	_ =	shalt  }
0x82: {  	_ =	shalt  }
0x83: {  	_ =	shalt  }
0x84: {  	_ =	shalt  }
0x85: {  	_ =	shalt  }
0x86: {  	_ =	shalt  }
0x87: {  	_ =	shalt  }
.Lfunc_end0:
.L_simem_size_0:
called_computation_lowered:
.L_overlay_start_0:
0x88: {  	s2 =	sld [smem:$0x3FD9]  }
0x89: {  	s3 =	sld [smem:$0x3FFE];
	_ =	sdelay $0x1  }
0x8a: {  	s1 =	srdreg.scid  }
0x8b: {  	s0 =	sand.u32 $0x1, s1  }
0x8c: {  	s17 =	sshll.u32 s0, $0xA;
	s2 =	sadd.s32 s3, s2  }
0x8d: {  	s2 =	sadd.s32 s2, s17  }
0x8e: {  	[smem:$0x3FC2] =	sst s2  }
0x8f: {  	_ = 	snop  }
0x90: {  	s2 =	sld [smem:$0x3FC6]  }
0x91: {  	s18 =	sld [smem:$0x3FD0];
	(tm) =	ssettm $0x1  }
0x92: {  	s4 =	sld [smem:$0x3FFB];
	_ =	sdelay $0x3  }
0x93: {  	_ =	strace s4  }
0x94: {  	s4 =	sld [smem:$0x3FFC];
	_ =	sdelay $0x3  }
0x95: {  	_ =	strace s4  }
0x96: {  	s4 =	sld [smem:$0x3FFD];
	_ =	sdelay $0x3  }
0x97: {  	_ =	strace s4  }
0x98: {  	_ =	strace $0x8FFFFFFF  }
0x99: {  	s19 =	sld [smem:$0x3FDB];
	_ =	sdelay $0x1  }
0x9a: {  	s5 =	simm.s32 $_scs_section_size  }
0x9b: {  	s6 =	simm.s32 $_size__tile_overlayer_lowered;
	s7 =	simm.s32 $_tile_overlayer_lowered  }
0x9c: {  	s22 =	simm.s32 $0x1BFF;
	s21 =	sshll.u32 s7, $0x1;
	s4 =	sadd.s32 s5, s19  }
0x9d: {  	s8 =	simm.s32 $0x0;
	s20 =	sshll.u32 s6, $0x1;
	s6 =	sadd.s32 s21, s4  }
0x9e: {  	[timem:s8], [sflag:s22] =	dma.local [hbm:s6], s20  }
0x9f: {  	_ =	swait.ge [sflag:s22], s20  }
0xa0: {  	s5 =	ssub.s32 $0x0, s20;
	[sflag:s22] =	ssyncset.done $0x0  }
0xa1: {  	[sflag:s22] =	ssyncadd.s32 s5;
	_ =	sdelay $0x1  }
0xa2: {  	s23 =	simm.s32 $0x1B8B  }
0xa3: {  	_ =	swait.ge [sflag:s23], $0x1  }
0xa4: {  	[sflag:s23] =	ssyncset.done $0x0  }
0xa5: {  	s25 =	simm.s32 $0x1B8E;
	s24 =	sld [smem:$0x3FFE];
	[sflag:s23] =	ssyncadd.s32 $0xFFFFFFFF  }
0xa6: {  	s26 =	simm.s32 $execute0_lowered;
	[smem:$0x3FD2] =	sst s25  }
0xa7: {  	s6 =	sshll.u32 s26, $0x1;
	_ =	strace $0x80000046;
	[dreg:$0x1] =	wrdreg $0xFFFFFFFF  }
0xa8: {  	s28 =	simm.s32 $_size_execute0_lowered;
	s4 =	sadd.s32 s4, s6;
	[dreg:$0x0] =	wrdreg $0x0  }
0xa9: {  	s6 =	sshll.u32 s28, $0x1;
	[dreg:$0x2] =	wrdreg s4  }
0xaa: {  	[dreg:$0x3] =	wrdreg s6  }
0xab: {  	[dreg:$0x4] =	wrdreg $0xC0  }
0xac: {  	_ =	task [dreg:s8], $0x5FFFF  }
0xad: {  	[dreg:$0x1] =	wrdreg $0xFFFFFFFF  }
0xae: {  	[dreg:$0x0] =	wrdreg $0x60  }
0xaf: {  	[dreg:$0x2] =	wrdreg s24  }
0xb0: {  	[dreg:$0x3] =	wrdreg s18  }
0xb1: {  	[dreg:$0x4] =	wrdreg s2  }
0xb2: {  	[dreg:$0x5] =	wrdreg $0x9  }
0xb3: {  	_ =	task.clear_ibuf [dreg:s8], $0x6FFFF;
	_ =	strace $0x90000046  }
0xb4: {  	s29 =	simm.s32 $0x9;
	_ =	strace $0x80000048  }
0xb5: {  	_ =	swait.ge [sflag:s29], $0x1  }
0xb6: {  	[sflag:s29] =	ssyncadd.s32 $0xFFFFFFFF  }
0xb7: {  	_ =	strace $0x90000048  }
0xb8: {  	_ =	sfence  }
0xb9: {  	s30 =	sld [smem:$0x0];
	_ =	sdelay $0x2  }
0xba: {  	s31 =	sshll.u32 s1, $0xD;
	s1 =	sshrl.u32 s1, $0x2  }
0xbb: {  	s3 =	sand.u32 $0x4000, s31;
	s1 =	sadd.s32 s1, s30  }
0xbc: {  	s0 =	sor.u32 s3, s0;
	s1 =	sshll.u32 s1, $0x11  }
0xbd: {  	s0 =	sor.u32 s1, s0  }
0xbe: {  	s0 =	sadd.s32 $0x8F2B, s0  }
0xbf: {  	[sflag:s0] =	ssyncadd.remote.s32 $0x1  }
0xc0: {  	_ =	sfence.sel $0xFFFF  }
0xc1: {  	[dreg:$0x0] =	wrdreg $0xFFFFFFFF;
	(pc) =	sbr.abs _section_cstart, $3  }
0xc2: {  	[dreg:$0x1] =	wrdreg $0xFFFFFFFF  }
0xc3: {  	_ =	task.clear_ibuf [dreg:s8], $0x2FFFF;
	_ =	strace $0x9FFFFFFF  }
0xc4: {  	(tm) =	ssettm $0x7FFFFFFF  }
0xc5: {  	_ =	shalt  }
tec
execute0_lowered:
.L_overlay_start_1:
0x0: {  	(tag) =	ssettag $0x1  }
0x1: {  	s0 =	rddreg [dreg:$0x0]  }
0x2: {  	s1 =	rddreg [dreg:$0x1]  }
0x3: {  	s2 =	rddreg [dreg:$0x2]  }
0x4: {  	s3 =	srdreg.scid;
	s4 =	simm.s32 $0x0;
	s6 =	stileid.u32  }
0x5: {  	s18 =	simm.s32 $0x3;
	s19 =	simm.s32 $0x2800;
	s20 =	simm.s32 $0x5000  }
0x6: {  	s28 =	simm.s32 $0x17E80;
	s29 =	simm.s32 $0x1;
	s30 =	simm.s32 $0xA000  }
0x7: {  	s31 =	simm.s32 $0xC800;
	s3 =	sand.u32 $0x1, s3;
	[smem:$0x7FF] =	sst s4  }
0x8: {  	s7 =	sadd.s32 $0xA200, s0;
	s9 =	sadd.s32 $0x32200, s0;
	s24 =	sadd.s32 $0x9AB0, s1  }
0x9: {  	s25 =	sadd.s32 $0x9AB0, s2;
	_ =	strace $0x80000047;
	[dreg:$0x9] =	wrdreg s24  }
0xa: {  	s5 =	sshll.u32 s3, $0x4;
	s3 =	ssub.s32 $0x2, s3;
	[dreg:$0xa] =	wrdreg s25  }
0xb: {  	s24 =	simm.s32 $0x15900;
	s25 =	simm.s32 $0x16580;
	s6 =	sor.u32 s6, s5  }
0xc: {  	s5 =	sadd.s32 $0x400, s0;
	s10 =	sshrl.u32 s3, $0x1;
	s8 =	smul.u32 $0xA000, s6  }
0xd: {  	s0 =	sadd.s32 $0x9EB0, s0;
	s6 =	smul.u32 $0x1400, s6;
	s3 =	ssub.s32 s3, s10  }
0xe: {  	[dreg:$0x8] =	wrdreg s0;
	s0 =	simm.s32 $0xF000;
	s17 =	smax.u32 s3, $0x1  }
0xf: {  	s3 =	simm.s32 $0x11800;
	s8 =	sshrl.u32 s8, $0x3;
	s21 =	sadd.s32 s7, s6  }
0x10: {  	s26 =	sadd.s32 s9, s6;
	s6 =	simm.s32 $0x2;
	[dreg:$0x4] =	wrdreg s21  }
0x11: {  	s22 =	sadd.s32 $0x500, s8;
	s23 =	sadd.s32 $0xA00, s8;
	s8 =	sadd.s32 $0xF00, s8  }
0x12: {  	[dreg:$0xb] =	wrdreg s26;
	s21 =	simm.s32 $0x7800;
	s26 =	simm.s32 $0x17200  }
0x13: {  	s11 =	sadd.s32 s7, s22;
	s12 =	sadd.s32 s7, s23;
	s7 =	sadd.s32 s7, s8  }
0x14: {  	s14 =	sadd.s32 s9, s22;
	s15 =	sadd.s32 s9, s23;
	[dreg:$0x5] =	wrdreg s11  }
0x15: {  	s16 =	sadd.s32 s9, s8;
	s22 =	simm.s32 $0x14000;
	[dreg:$0x6] =	wrdreg s12  }
0x16: {  	v0 =	vimm.f32 $0.0e+00;
	s23 =	simm.s32 $0x14C80;
	[dreg:$0x7] =	wrdreg s7;
	s7 =	simm.s32 $0x0  }
.LBB2_1:
0x17: {  	s8 =	rddreg [dreg:$0x4]  }
0x18: {  	[tilespmem:s4], [sflag:$0x3] =	stream.linear.gather [hbm4b:s8+s4], $0x2800, $0x38;
	[tilespmem:$0x18B00] =	vst v63  }
0x19: {  	_ =	swait.ge [sflag:s18], $0x2800  }
0x1a: {  	[sflag:s18] =	ssyncset.done $0x0  }
0x1b: {  	s11 =	rddreg [dreg:$0x5];
	[sflag:s18] =	ssyncadd.s32 $0xFFFFD800  }
0x1c: {  	[tilespmem:s19], [sflag:$0x3] =	stream.linear.gather [hbm4b:s11+s4], $0x2800, $0x38;
	[tilespmem:$0x18B00] =	vst v63  }
0x1d: {  	_ =	swait.ge [sflag:s18], $0x2800  }
0x1e: {  	[sflag:s18] =	ssyncset.done $0x0  }
0x1f: {  	s12 =	rddreg [dreg:$0x6];
	[sflag:s18] =	ssyncadd.s32 $0xFFFFD800  }
0x20: {  	[tilespmem:s20], [sflag:$0x3] =	stream.linear.gather [hbm4b:s12+s4], $0x2800, $0x38;
	[tilespmem:$0x18B00] =	vst v63  }
0x21: {  	_ =	swait.ge [sflag:s18], $0x2800  }
0x22: {  	[sflag:s18] =	ssyncset.done $0x0  }
0x23: {  	s13 =	rddreg [dreg:$0x7];
	[sflag:s18] =	ssyncadd.s32 $0xFFFFD800  }
0x24: {  	[tilespmem:s21], [sflag:$0x3] =	stream.linear.gather [hbm4b:s13+s4], $0x2800, $0x38;
	[tilespmem:$0x18B00] =	vst v63  }
0x25: {  	_ =	swait.ge [sflag:s18], $0x2800  }
0x26: {  	[sflag:s18] =	ssyncset.done $0x0  }
0x27: {  	s9 =	simm.s32 $0x40;
	s8 =	simm.s32 $0x0;
	[sflag:s18] =	ssyncadd.s32 $0xFFFFD800  }
.LBB2_2:
0x28: {  	p0 =	sne.s32 s9, $0x9FC0;
	[tilespmem:s8+$0x11800] =	vst v0;
	s10 =	smov.u32 s9;
	s9 =	sadd.s32 $0x40, s9  }
.Ltmp0:
0x29: {  	[tilespmem:s8+$0xF000] =	vst v0;
	(pc) =	sbr.rel @p0 .LBB2_2-.Ltmp0, $3  }
0x2a: {  	[tilespmem:s8+$0xA000] =	vst v0  }
0x2b: {  	[tilespmem:s8+$0xC800] =	vst v0;
	_ =	sdelay $0x1  }
0x2c: {  	s8 =	sshra.s32 s10, $0x2  }
0x2d: {  	[tilespmem:s8+$0x11800] =	vst v0  }
0x2e: {  	[tilespmem:s8+$0xF000] =	vst v0  }
0x2f: {  	[tilespmem:s8+$0xA000] =	vst v0  }
0x30: {  	[tilespmem:s8+$0xC800] =	vst v0;
	s8 =	simm.s32 $0x0  }
0x31: {  	[tilespmem:s22], [sflag:$0x1] =	stream.linear.gather [hbm4b:s5+s8], $0xC80, $0x38;
	[tilespmem:$0x18B00] =	vst v63  }
0x32: {  	_ = 	snop  }
0x33: {  	[tilespmem:s23], [sflag:$0x1] =	stream.linear.gather [hbm4b:s1+s8], $0xC80, $0x38;
	[tilespmem:$0x18B00] =	vst v63  }
0x34: {  	_ = 	snop  }
0x35: {  	[tilespmem:s24], [sflag:$0x1] =	stream.linear.gather [hbm4b:s2+s8], $0xC80, $0x38;
	[tilespmem:$0x18B00] =	vst v63  }
.LBB2_4:
0x36: {  	s9 =	smul.u32 $0x1900, s8;
	_ =	sdelay $0x1  }
0x37: {  	s9 =	sshrl.u32 s9, $0x3  }
0x38: {  	s10 =	sadd.s32 $0x190, s9  }
0x39: {  	s11 =	sadd.s32 s5, s10  }
0x3a: {  	[tilespmem:s25], [sflag:$0x2] =	stream.linear.gather [hbm4b:s11+s4], $0xC80, $0x38;
	[tilespmem:$0x18B00] =	vst v63  }
0x3b: {  	s12 =	sadd.s32 s1, s10  }
0x3c: {  	[tilespmem:s26], [sflag:$0x2] =	stream.linear.gather [hbm4b:s12+s4], $0xC80, $0x38;
	[tilespmem:$0x18B00] =	vst v63  }
0x3d: {  	s10 =	sadd.s32 s2, s10  }
0x3e: {  	[tilespmem:s28], [sflag:$0x2] =	stream.linear.gather [hbm4b:s10+s4], $0xC80, $0x38;
	[tilespmem:$0x18B00] =	vst v63  }
0x3f: {  	_ =	swait.ge [sflag:s29], $0xC80  }
0x40: {  	[sflag:s29] =	ssyncset.done $0x0  }
0x41: {  	[sflag:s29] =	ssyncadd.s32 $0xFFFFF380  }
0x42: {  	_ =	swait.ge [sflag:s29], $0xC80  }
0x43: {  	[sflag:s29] =	ssyncset.done $0x0  }
0x44: {  	[sflag:s29] =	ssyncadd.s32 $0xFFFFF380  }
0x45: {  	_ =	swait.ge [sflag:s29], $0xC80  }
0x46: {  	[sflag:s29] =	ssyncset.done $0x0  }
0x47: {  	s13 =	simm.s32 $0x14020;
	[sflag:s29] =	ssyncadd.s32 $0xFFFFF380  }
0x48: {  	v10 =	vld [tilespmem:s13+$0x10];
	_ =	sdelay $0x4  }
0x49: {  	s10 =	simm.s32 $0x14CA0;
	v3 =	vld [tilespmem:s13+$0xFFFFFFE0]  }
0x4a: {  	s11 =	simm.s32 $0x15920;
	v12 =	vld [tilespmem:s10+$0x10]  }
0x4b: {  	v11 =	vld [tilespmem:s11+$0x10]  }
0x4c: {  	v5 =	vld.idx.msk [tilespmem:v10+s4+$0x0], $0xffff  }
0x4d: {  	v1 =	vld [tilespmem:s13+$0xFFFFFFF0]  }
0x4e: {  	v2 =	vld [tilespmem:s13+$0x0]  }
0x4f: {  	v4 =	vld [tilespmem:s11+$0xFFFFFFE0]  }
0x50: {  	v7 =	vld [tilespmem:s10+$0xFFFFFFE0]  }
0x51: {  	v8 =	vld [tilespmem:s10+$0xFFFFFFF0];
	v6 =	vmul.f32 v5, v11  }
0x52: {  	v14 =	vld.idx.msk [tilespmem:v3+s4+$0x0], $0xffff  }
0x53: {  	[tilespmem:v12+s30+$0x0] =	vst.idx.add.f32.msk $0xffff, v6  }
0x54: {  	v16 =	vld.idx.msk [tilespmem:v10+s19+$0x0], $0xffff  }
0x55: {  	v9 =	vld [tilespmem:s11+$0x0]  }
0x56: {  	v13 =	vld.idx.msk [tilespmem:v1+s4+$0x0], $0xffff  }
0x57: {  	v5 =	vld [tilespmem:s11+$0xFFFFFFF0]  }
0x58: {  	v14 =	vmul.f32 v14, v4;
	v6 =	vld [tilespmem:s10+$0x0]  }
0x59: {  	v15 =	vld.idx.msk [tilespmem:v2+s4+$0x0], $0xffff;
	v16 =	vmul.f32 v16, v11  }
0x5a: {  	[tilespmem:v7+s30+$0x0] =	vst.idx.add.f32.msk $0xffff, v14  }
0x5b: {  	[tilespmem:v12+s31+$0x0] =	vst.idx.add.f32.msk $0xffff, v16  }
0x5c: {  	v13 =	vmul.f32 v13, v5;
	v16 =	vld.idx.msk [tilespmem:v10+s20+$0x0], $0xffff  }
0x5d: {  	v60 =	vld.idx.msk [tilespmem:v3+s19+$0x0], $0xffff  }
0x5e: {  	v15 =	vmul.f32 v15, v9;
	[tilespmem:v8+s30+$0x0] =	vst.idx.add.f32.msk $0xffff, v13  }
0x5f: {  	v61 =	vld.idx.msk [tilespmem:v1+s19+$0x0], $0xffff  }
0x60: {  	[tilespmem:v6+s30+$0x0] =	vst.idx.add.f32.msk $0xffff, v15  }
0x61: {  	v15 =	vld.idx.msk [tilespmem:v2+s19+$0x0], $0xffff;
	v16 =	vmul.f32 v16, v11;
	_ =	sdelay $0x1  }
0x62: {  	[tilespmem:v12+s0+$0x0] =	vst.idx.add.f32.msk $0xffff, v16  }
0x63: {  	v16 =	vld.idx.msk [tilespmem:v10+s21+$0x0], $0xffff;
	v10 =	vmul.f32 v60, v4  }
0x64: {  	v62 =	vmul.f32 v61, v5  }
0x65: {  	[tilespmem:v7+s31+$0x0] =	vst.idx.add.f32.msk $0xffff, v10;
	v10 =	vmul.f32 v15, v9  }
0x66: {  	[tilespmem:v8+s31+$0x0] =	vst.idx.add.f32.msk $0xffff, v62  }
0x67: {  	[tilespmem:v6+s31+$0x0] =	vst.idx.add.f32.msk $0xffff, v10  }
0x68: {  	v10 =	vld.idx.msk [tilespmem:v3+s20+$0x0], $0xffff;
	v63 =	vmul.f32 v16, v11  }
0x69: {  	v11 =	vld.idx.msk [tilespmem:v1+s20+$0x0], $0xffff  }
0x6a: {  	s12 =	simm.s32 $0x0;
	s13 =	simm.s32 $0x14060;
	[tilespmem:v12+s3+$0x0] =	vst.idx.add.f32.msk $0xffff, v63  }
.LBB2_5:
0x6b: {  	v12 =	vld [tilespmem:s13+$0x10];
	s12 =	sadd.s32 $0x4, s12  }
0x6c: {  	v13 =	vld [tilespmem:s13+$0xFFFFFFF0];
	p0 =	slt.u32 s12, $0xC4  }
0x6d: {  	v14 =	vld [tilespmem:s13+$0x0]  }
0x6e: {  	v10 =	vmul.f32 v10, v4;
	v15 =	vld [tilespmem:s13+$0xFFFFFFE0]  }
0x6f: {  	v11 =	vmul.f32 v11, v5;
	v16 =	vld.idx.msk [tilespmem:v2+s20+$0x0], $0xffff  }
0x70: {  	[tilespmem:v7+s0+$0x0] =	vst.idx.add.f32.msk $0xffff, v10  }
0x71: {  	s10 =	sadd.s32 $0x40, s10;
	[tilespmem:v8+s0+$0x0] =	vst.idx.add.f32.msk $0xffff, v11  }
0x72: {  	v17 =	vld [tilespmem:s10+$0x10]  }
0x73: {  	s11 =	sadd.s32 $0x40, s11;
	v10 =	vld.idx.msk [tilespmem:v12+s4+$0x0], $0xffff  }
0x74: {  	v11 =	vld [tilespmem:s11+$0x10]  }
0x75: {  	v16 =	vmul.f32 v16, v9;
	v18 =	vld.idx.msk [tilespmem:v13+s4+$0x0], $0xffff  }
0x76: {  	v19 =	vld.idx.msk [tilespmem:v15+s4+$0x0], $0xffff  }
0x77: {  	v20 =	vld.idx.msk [tilespmem:v14+s4+$0x0], $0xffff  }
0x78: {  	v21 =	vld [tilespmem:s11+$0xFFFFFFE0]  }
0x79: {  	v22 =	vld [tilespmem:s11+$0xFFFFFFF0];
	v10 =	vmul.f32 v10, v11  }
0x7a: {  	v23 =	vld [tilespmem:s11+$0x0]  }
0x7b: {  	[tilespmem:v17+s30+$0x0] =	vst.idx.add.f32.msk $0xffff, v10  }
0x7c: {  	v10 =	vld.idx.msk [tilespmem:v12+s19+$0x0], $0xffff  }
0x7d: {  	v24 =	vld [tilespmem:s10+$0xFFFFFFE0];
	v19 =	vmul.f32 v19, v21  }
0x7e: {  	v25 =	vld [tilespmem:s10+$0xFFFFFFF0];
	v18 =	vmul.f32 v18, v22  }
0x7f: {  	v26 =	vld [tilespmem:s10+$0x0];
	v20 =	vmul.f32 v20, v23  }
0x80: {  	[tilespmem:v6+s0+$0x0] =	vst.idx.add.f32.msk $0xffff, v16  }
0x81: {  	v16 =	vld.idx.msk [tilespmem:v3+s21+$0x0], $0xffff;
	v3 =	vmov v15  }
0x82: {  	v10 =	vmul.f32 v10, v11;
	v15 =	vld.idx.msk [tilespmem:v1+s21+$0x0], $0xffff;
	v1 =	vmov v13  }
0x83: {  	v13 =	vld.idx.msk [tilespmem:v2+s21+$0x0], $0xffff;
	v2 =	vmov v14  }
0x84: {  	[tilespmem:v17+s31+$0x0] =	vst.idx.add.f32.msk $0xffff, v10  }
0x85: {  	v10 =	vld.idx.msk [tilespmem:v12+s20+$0x0], $0xffff  }
0x86: {  	[tilespmem:v24+s30+$0x0] =	vst.idx.add.f32.msk $0xffff, v19  }
0x87: {  	v14 =	vmul.f32 v16, v4;
	v4 =	vmov v21;
	[tilespmem:v25+s30+$0x0] =	vst.idx.add.f32.msk $0xffff, v18  }
0x88: {  	v15 =	vmul.f32 v15, v5;
	v5 =	vmov v22;
	[tilespmem:v26+s30+$0x0] =	vst.idx.add.f32.msk $0xffff, v20  }
0x89: {  	v13 =	vmul.f32 v13, v9;
	v9 =	vmov v23;
	v16 =	vld.idx.msk [tilespmem:v3+s19+$0x0], $0xffff  }
0x8a: {  	v18 =	vld.idx.msk [tilespmem:v1+s19+$0x0], $0xffff  }
0x8b: {  	v10 =	vmul.f32 v10, v11;
	v19 =	vld.idx.msk [tilespmem:v2+s19+$0x0], $0xffff  }
0x8c: {  	[tilespmem:v7+s3+$0x0] =	vst.idx.add.f32.msk $0xffff, v14;
	v7 =	vmov v24  }
0x8d: {  	[tilespmem:v17+s0+$0x0] =	vst.idx.add.f32.msk $0xffff, v10  }
0x8e: {  	v12 =	vld.idx.msk [tilespmem:v12+s21+$0x0], $0xffff  }
0x8f: {  	v10 =	vmul.f32 v16, v4;
	[tilespmem:v8+s3+$0x0] =	vst.idx.add.f32.msk $0xffff, v15;
	v8 =	vmov v25  }
0x90: {  	v14 =	vmul.f32 v18, v5;
	[tilespmem:v6+s3+$0x0] =	vst.idx.add.f32.msk $0xffff, v13;
	v6 =	vmov v26  }
0x91: {  	[tilespmem:v24+s31+$0x0] =	vst.idx.add.f32.msk $0xffff, v10;
	v10 =	vmul.f32 v19, v9  }
.Ltmp1:
0x92: {  	[tilespmem:v25+s31+$0x0] =	vst.idx.add.f32.msk $0xffff, v14;
	(pc) =	sbr.rel @p0 .LBB2_5-.Ltmp1, $4  }
0x93: {  	[tilespmem:v26+s31+$0x0] =	vst.idx.add.f32.msk $0xffff, v10  }
0x94: {  	v12 =	vmul.f32 v12, v11;
	v10 =	vld.idx.msk [tilespmem:v3+s20+$0x0], $0xffff  }
0x95: {  	v11 =	vld.idx.msk [tilespmem:v1+s20+$0x0], $0xffff  }
0x96: {  	s13 =	sadd.s32 $0x40, s13;
	[tilespmem:v17+s3+$0x0] =	vst.idx.add.f32.msk $0xffff, v12  }
0x97: {  	_ =	sdelay $0x3  }
0x98: {  	v12 =	vld.idx.msk [tilespmem:v2+s20+$0x0], $0xffff  }
0x99: {  	v10 =	vmul.f32 v10, v4  }
0x9a: {  	v11 =	vmul.f32 v11, v5  }
0x9b: {  	[tilespmem:v7+s0+$0x0] =	vst.idx.add.f32.msk $0xffff, v10  }
0x9c: {  	[tilespmem:v8+s0+$0x0] =	vst.idx.add.f32.msk $0xffff, v11  }
0x9d: {  	v10 =	vmul.f32 v12, v9;
	v3 =	vld.idx.msk [tilespmem:v3+s21+$0x0], $0xffff  }
0x9e: {  	v1 =	vld.idx.msk [tilespmem:v1+s21+$0x0], $0xffff  }
0x9f: {  	[tilespmem:v6+s0+$0x0] =	vst.idx.add.f32.msk $0xffff, v10  }
0xa0: {  	v2 =	vld.idx.msk [tilespmem:v2+s21+$0x0], $0xffff;
	_ =	sdelay $0x2  }
0xa1: {  	v3 =	vmul.f32 v3, v4  }
0xa2: {  	v1 =	vmul.f32 v1, v5  }
0xa3: {  	[tilespmem:v7+s3+$0x0] =	vst.idx.add.f32.msk $0xffff, v3;
	v2 =	vmul.f32 v2, v9  }
0xa4: {  	s9 =	sadd.s32 $0x320, s9;
	[tilespmem:v8+s3+$0x0] =	vst.idx.add.f32.msk $0xffff, v1  }
0xa5: {  	s10 =	sadd.s32 s5, s9;
	[tilespmem:v6+s3+$0x0] =	vst.idx.add.f32.msk $0xffff, v2  }
0xa6: {  	[tilespmem:s22], [sflag:$0x1] =	stream.linear.gather [hbm4b:s10+s4], $0xC80, $0x38;
	[tilespmem:$0x18B00] =	vst v63  }
0xa7: {  	s12 =	sadd.s32 s1, s9  }
0xa8: {  	[tilespmem:s23], [sflag:$0x1] =	stream.linear.gather [hbm4b:s12+s4], $0xC80, $0x38;
	[tilespmem:$0x18B00] =	vst v63  }
0xa9: {  	s9 =	sadd.s32 s2, s9  }
0xaa: {  	[tilespmem:s24], [sflag:$0x1] =	stream.linear.gather [hbm4b:s9+s4], $0xC80, $0x38;
	[tilespmem:$0x18B00] =	vst v63  }
0xab: {  	_ =	swait.ge [sflag:s6], $0xC80  }
0xac: {  	[sflag:s6] =	ssyncset.done $0x0  }
0xad: {  	[sflag:s6] =	ssyncadd.s32 $0xFFFFF380  }
0xae: {  	_ =	swait.ge [sflag:s6], $0xC80  }
0xaf: {  	[sflag:s6] =	ssyncset.done $0x0  }
0xb0: {  	[sflag:s6] =	ssyncadd.s32 $0xFFFFF380  }
0xb1: {  	_ =	swait.ge [sflag:s6], $0xC80  }
0xb2: {  	[sflag:s6] =	ssyncset.done $0x0  }
0xb3: {  	s13 =	simm.s32 $0x165A0;
	[sflag:s6] =	ssyncadd.s32 $0xFFFFF380  }
0xb4: {  	v10 =	vld [tilespmem:s13+$0x10];
	_ =	sdelay $0x4  }
0xb5: {  	s9 =	simm.s32 $0x17220;
	v3 =	vld [tilespmem:s13+$0xFFFFFFE0]  }
0xb6: {  	s10 =	simm.s32 $0x17EA0;
	v59 =	vld [tilespmem:s9+$0x10]  }
0xb7: {  	v11 =	vld [tilespmem:s10+$0x10]  }
0xb8: {  	v5 =	vld.idx.msk [tilespmem:v10+s4+$0x0], $0xffff  }
0xb9: {  	v1 =	vld [tilespmem:s13+$0xFFFFFFF0]  }
0xba: {  	v2 =	vld [tilespmem:s13+$0x0]  }
0xbb: {  	v4 =	vld [tilespmem:s10+$0xFFFFFFE0]  }
0xbc: {  	v6 =	vld [tilespmem:s10+$0xFFFFFFF0]  }
0xbd: {  	v8 =	vld [tilespmem:s9+$0xFFFFFFE0];
	v5 =	vmul.f32 v5, v11  }
0xbe: {  	v14 =	vld.idx.msk [tilespmem:v3+s4+$0x0], $0xffff  }
0xbf: {  	[tilespmem:v59+s30+$0x0] =	vst.idx.add.f32.msk $0xffff, v5  }
0xc0: {  	v16 =	vld.idx.msk [tilespmem:v10+s19+$0x0], $0xffff  }
0xc1: {  	v7 =	vld [tilespmem:s9+$0xFFFFFFF0]  }
0xc2: {  	v13 =	vld.idx.msk [tilespmem:v1+s4+$0x0], $0xffff  }
0xc3: {  	v9 =	vld [tilespmem:s10+$0x0]  }
0xc4: {  	v14 =	vmul.f32 v14, v4;
	v5 =	vld [tilespmem:s9+$0x0]  }
0xc5: {  	v15 =	vld.idx.msk [tilespmem:v2+s4+$0x0], $0xffff;
	v16 =	vmul.f32 v16, v11  }
0xc6: {  	[tilespmem:v8+s30+$0x0] =	vst.idx.add.f32.msk $0xffff, v14  }
0xc7: {  	v13 =	vmul.f32 v13, v6;
	[tilespmem:v59+s31+$0x0] =	vst.idx.add.f32.msk $0xffff, v16  }
0xc8: {  	v16 =	vld.idx.msk [tilespmem:v10+s20+$0x0], $0xffff  }
0xc9: {  	[tilespmem:v7+s30+$0x0] =	vst.idx.add.f32.msk $0xffff, v13  }
0xca: {  	v15 =	vmul.f32 v15, v9;
	v60 =	vld.idx.msk [tilespmem:v3+s19+$0x0], $0xffff  }
0xcb: {  	v61 =	vld.idx.msk [tilespmem:v1+s19+$0x0], $0xffff  }
0xcc: {  	[tilespmem:v5+s30+$0x0] =	vst.idx.add.f32.msk $0xffff, v15  }
0xcd: {  	v15 =	vld.idx.msk [tilespmem:v2+s19+$0x0], $0xffff;
	v16 =	vmul.f32 v16, v11;
	_ =	sdelay $0x1  }
0xce: {  	[tilespmem:v59+s0+$0x0] =	vst.idx.add.f32.msk $0xffff, v16  }
0xcf: {  	v16 =	vld.idx.msk [tilespmem:v10+s21+$0x0], $0xffff;
	v10 =	vmul.f32 v60, v4  }
0xd0: {  	v62 =	vmul.f32 v61, v6  }
0xd1: {  	[tilespmem:v8+s31+$0x0] =	vst.idx.add.f32.msk $0xffff, v10;
	v10 =	vmul.f32 v15, v9  }
0xd2: {  	[tilespmem:v7+s31+$0x0] =	vst.idx.add.f32.msk $0xffff, v62  }
0xd3: {  	[tilespmem:v5+s31+$0x0] =	vst.idx.add.f32.msk $0xffff, v10  }
0xd4: {  	v10 =	vld.idx.msk [tilespmem:v3+s20+$0x0], $0xffff;
	v63 =	vmul.f32 v16, v11  }
0xd5: {  	v11 =	vld.idx.msk [tilespmem:v1+s20+$0x0], $0xffff  }
0xd6: {  	s11 =	simm.s32 $0x0;
	s12 =	simm.s32 $0x165E0;
	[tilespmem:v59+s3+$0x0] =	vst.idx.add.f32.msk $0xffff, v63  }
.LBB2_7:
0xd7: {  	v12 =	vld [tilespmem:s12+$0x10];
	s11 =	sadd.s32 $0x4, s11  }
0xd8: {  	v13 =	vld [tilespmem:s12+$0xFFFFFFF0];
	p0 =	slt.u32 s11, $0xC4  }
0xd9: {  	v14 =	vld [tilespmem:s12+$0x0]  }
0xda: {  	v10 =	vmul.f32 v10, v4;
	v15 =	vld [tilespmem:s12+$0xFFFFFFE0]  }
0xdb: {  	v11 =	vmul.f32 v11, v6;
	v16 =	vld.idx.msk [tilespmem:v2+s20+$0x0], $0xffff  }
0xdc: {  	[tilespmem:v8+s0+$0x0] =	vst.idx.add.f32.msk $0xffff, v10  }
0xdd: {  	s9 =	sadd.s32 $0x40, s9;
	[tilespmem:v7+s0+$0x0] =	vst.idx.add.f32.msk $0xffff, v11  }
0xde: {  	v17 =	vld [tilespmem:s9+$0x10]  }
0xdf: {  	s10 =	sadd.s32 $0x40, s10;
	v10 =	vld.idx.msk [tilespmem:v12+s4+$0x0], $0xffff  }
0xe0: {  	v11 =	vld [tilespmem:s10+$0x10]  }
0xe1: {  	v16 =	vmul.f32 v16, v9;
	v18 =	vld.idx.msk [tilespmem:v13+s4+$0x0], $0xffff  }
0xe2: {  	v19 =	vld.idx.msk [tilespmem:v15+s4+$0x0], $0xffff  }
0xe3: {  	v20 =	vld.idx.msk [tilespmem:v14+s4+$0x0], $0xffff  }
0xe4: {  	v21 =	vld [tilespmem:s10+$0xFFFFFFE0]  }
0xe5: {  	v22 =	vld [tilespmem:s10+$0xFFFFFFF0];
	v10 =	vmul.f32 v10, v11  }
0xe6: {  	v23 =	vld [tilespmem:s10+$0x0]  }
0xe7: {  	[tilespmem:v17+s30+$0x0] =	vst.idx.add.f32.msk $0xffff, v10  }
0xe8: {  	v10 =	vld.idx.msk [tilespmem:v12+s19+$0x0], $0xffff  }
0xe9: {  	v24 =	vld [tilespmem:s9+$0xFFFFFFE0];
	v19 =	vmul.f32 v19, v21  }
0xea: {  	v25 =	vld [tilespmem:s9+$0xFFFFFFF0];
	v18 =	vmul.f32 v18, v22  }
0xeb: {  	v26 =	vld [tilespmem:s9+$0x0];
	v20 =	vmul.f32 v20, v23  }
0xec: {  	[tilespmem:v5+s0+$0x0] =	vst.idx.add.f32.msk $0xffff, v16  }
0xed: {  	v16 =	vld.idx.msk [tilespmem:v3+s21+$0x0], $0xffff;
	v3 =	vmov v15  }
0xee: {  	v10 =	vmul.f32 v10, v11;
	v15 =	vld.idx.msk [tilespmem:v1+s21+$0x0], $0xffff;
	v1 =	vmov v13  }
0xef: {  	v13 =	vld.idx.msk [tilespmem:v2+s21+$0x0], $0xffff;
	v2 =	vmov v14  }
0xf0: {  	[tilespmem:v17+s31+$0x0] =	vst.idx.add.f32.msk $0xffff, v10  }
0xf1: {  	v10 =	vld.idx.msk [tilespmem:v12+s20+$0x0], $0xffff  }
0xf2: {  	[tilespmem:v24+s30+$0x0] =	vst.idx.add.f32.msk $0xffff, v19  }
0xf3: {  	v14 =	vmul.f32 v16, v4;
	v4 =	vmov v21;
	[tilespmem:v25+s30+$0x0] =	vst.idx.add.f32.msk $0xffff, v18  }
0xf4: {  	v15 =	vmul.f32 v15, v6;
	v6 =	vmov v22;
	[tilespmem:v26+s30+$0x0] =	vst.idx.add.f32.msk $0xffff, v20  }
0xf5: {  	v13 =	vmul.f32 v13, v9;
	v9 =	vmov v23;
	v16 =	vld.idx.msk [tilespmem:v3+s19+$0x0], $0xffff  }
0xf6: {  	v18 =	vld.idx.msk [tilespmem:v1+s19+$0x0], $0xffff  }
0xf7: {  	v10 =	vmul.f32 v10, v11;
	v19 =	vld.idx.msk [tilespmem:v2+s19+$0x0], $0xffff  }
0xf8: {  	[tilespmem:v8+s3+$0x0] =	vst.idx.add.f32.msk $0xffff, v14;
	v8 =	vmov v24  }
0xf9: {  	[tilespmem:v17+s0+$0x0] =	vst.idx.add.f32.msk $0xffff, v10  }
0xfa: {  	v12 =	vld.idx.msk [tilespmem:v12+s21+$0x0], $0xffff  }
0xfb: {  	v10 =	vmul.f32 v16, v4;
	[tilespmem:v7+s3+$0x0] =	vst.idx.add.f32.msk $0xffff, v15;
	v7 =	vmov v25  }
0xfc: {  	v14 =	vmul.f32 v18, v6;
	[tilespmem:v5+s3+$0x0] =	vst.idx.add.f32.msk $0xffff, v13;
	v5 =	vmov v26  }
0xfd: {  	[tilespmem:v24+s31+$0x0] =	vst.idx.add.f32.msk $0xffff, v10;
	v10 =	vmul.f32 v19, v9  }
.Ltmp2:
0xfe: {  	[tilespmem:v25+s31+$0x0] =	vst.idx.add.f32.msk $0xffff, v14;
	(pc) =	sbr.rel @p0 .LBB2_7-.Ltmp2, $4  }
0xff: {  	[tilespmem:v26+s31+$0x0] =	vst.idx.add.f32.msk $0xffff, v10  }
0x100: {  	v12 =	vmul.f32 v12, v11;
	v10 =	vld.idx.msk [tilespmem:v3+s20+$0x0], $0xffff  }
0x101: {  	v11 =	vld.idx.msk [tilespmem:v1+s20+$0x0], $0xffff  }
0x102: {  	s12 =	sadd.s32 $0x40, s12;
	[tilespmem:v17+s3+$0x0] =	vst.idx.add.f32.msk $0xffff, v12  }
0x103: {  	_ =	sdelay $0x3  }
0x104: {  	v12 =	vld.idx.msk [tilespmem:v2+s20+$0x0], $0xffff  }
0x105: {  	v10 =	vmul.f32 v10, v4  }
0x106: {  	v11 =	vmul.f32 v11, v6  }
0x107: {  	[tilespmem:v8+s0+$0x0] =	vst.idx.add.f32.msk $0xffff, v10  }
0x108: {  	[tilespmem:v7+s0+$0x0] =	vst.idx.add.f32.msk $0xffff, v11  }
0x109: {  	v63 =	vmul.f32 v12, v9;
	v3 =	vld.idx.msk [tilespmem:v3+s21+$0x0], $0xffff  }
0x10a: {  	v1 =	vld.idx.msk [tilespmem:v1+s21+$0x0], $0xffff  }
0x10b: {  	[tilespmem:v5+s0+$0x0] =	vst.idx.add.f32.msk $0xffff, v63  }
0x10c: {  	v2 =	vld.idx.msk [tilespmem:v2+s21+$0x0], $0xffff  }
0x10d: {  	s8 =	sadd.s32 $0x1, s8  }
0x10e: {  	p0 =	sne.s32 s8, $0x31  }
.Ltmp3:
0x10f: {  	v3 =	vmul.f32 v3, v4;
	(pc) =	sbr.rel @p0 .LBB2_4-.Ltmp3, $4  }
0x110: {  	v1 =	vmul.f32 v1, v6  }
0x111: {  	[tilespmem:v8+s3+$0x0] =	vst.idx.add.f32.msk $0xffff, v3;
	v2 =	vmul.f32 v2, v9  }
0x112: {  	[tilespmem:v7+s3+$0x0] =	vst.idx.add.f32.msk $0xffff, v1  }
0x113: {  	[tilespmem:v5+s3+$0x0] =	vst.idx.add.f32.msk $0xffff, v2  }
0x114: {  	s8 =	rddreg [dreg:$0x8]  }
0x115: {  	[tilespmem:s25], [sflag:$0x2] =	stream.linear.gather [hbm4b:s8+s4], $0xC80, $0x38;
	[tilespmem:$0x18B00] =	vst v63  }
0x116: {  	s11 =	rddreg [dreg:$0x9]  }
0x117: {  	[tilespmem:s26], [sflag:$0x2] =	stream.linear.gather [hbm4b:s11+s4], $0xC80, $0x38;
	[tilespmem:$0x18B00] =	vst v63  }
0x118: {  	s12 =	rddreg [dreg:$0xa]  }
0x119: {  	[tilespmem:s28], [sflag:$0x2] =	stream.linear.gather [hbm4b:s12+s4], $0xC80, $0x38;
	[tilespmem:$0x18B00] =	vst v63  }
0x11a: {  	_ =	swait.ge [sflag:s29], $0xC80  }
0x11b: {  	[sflag:s29] =	ssyncset.done $0x0  }
0x11c: {  	[sflag:s29] =	ssyncadd.s32 $0xFFFFF380  }
0x11d: {  	_ =	swait.ge [sflag:s29], $0xC80  }
0x11e: {  	[sflag:s29] =	ssyncset.done $0x0  }
0x11f: {  	[sflag:s29] =	ssyncadd.s32 $0xFFFFF380  }
0x120: {  	_ =	swait.ge [sflag:s29], $0xC80  }
0x121: {  	[sflag:s29] =	ssyncset.done $0x0  }
0x122: {  	s13 =	simm.s32 $0x14020;
	[sflag:s29] =	ssyncadd.s32 $0xFFFFF380  }
0x123: {  	v10 =	vld [tilespmem:s13+$0x10];
	_ =	sdelay $0x2  }
0x124: {  	v1 =	vld [tilespmem:s13+$0xFFFFFFF0]  }
0x125: {  	v3 =	vld [tilespmem:s13+$0xFFFFFFE0]  }
0x126: {  	s8 =	simm.s32 $0x14CA0;
	v2 =	vld [tilespmem:s13+$0x0]  }
0x127: {  	s9 =	simm.s32 $0x15920;
	v12 =	vld [tilespmem:s8+$0x10]  }
0x128: {  	v11 =	vld [tilespmem:s9+$0x10]  }
0x129: {  	v5 =	vld.idx.msk [tilespmem:v10+s4+$0x0], $0xffff  }
0x12a: {  	v4 =	vld [tilespmem:s9+$0xFFFFFFE0]  }
0x12b: {  	v7 =	vld [tilespmem:s8+$0xFFFFFFF0]  }
0x12c: {  	v8 =	vld [tilespmem:s8+$0x0]  }
0x12d: {  	v9 =	vld [tilespmem:s9+$0x0]  }
0x12e: {  	v13 =	vld.idx.msk [tilespmem:v1+s4+$0x0], $0xffff;
	v6 =	vmul.f32 v5, v11  }
0x12f: {  	v15 =	vld.idx.msk [tilespmem:v2+s4+$0x0], $0xffff  }
0x130: {  	[tilespmem:v12+s30+$0x0] =	vst.idx.add.f32.msk $0xffff, v6  }
0x131: {  	v16 =	vld.idx.msk [tilespmem:v10+s19+$0x0], $0xffff  }
0x132: {  	v5 =	vld [tilespmem:s9+$0xFFFFFFF0]  }
0x133: {  	v6 =	vld [tilespmem:s8+$0xFFFFFFE0]  }
0x134: {  	v14 =	vld.idx.msk [tilespmem:v3+s4+$0x0], $0xffff  }
0x135: {  	v15 =	vmul.f32 v15, v9  }
0x136: {  	v16 =	vmul.f32 v16, v11  }
0x137: {  	[tilespmem:v8+s30+$0x0] =	vst.idx.add.f32.msk $0xffff, v15  }
0x138: {  	v13 =	vmul.f32 v13, v5;
	[tilespmem:v12+s31+$0x0] =	vst.idx.add.f32.msk $0xffff, v16  }
0x139: {  	v14 =	vmul.f32 v14, v4;
	v16 =	vld.idx.msk [tilespmem:v10+s20+$0x0], $0xffff  }
0x13a: {  	[tilespmem:v7+s30+$0x0] =	vst.idx.add.f32.msk $0xffff, v13  }
0x13b: {  	[tilespmem:v6+s30+$0x0] =	vst.idx.add.f32.msk $0xffff, v14  }
0x13c: {  	v60 =	vld.idx.msk [tilespmem:v3+s19+$0x0], $0xffff  }
0x13d: {  	v61 =	vld.idx.msk [tilespmem:v1+s19+$0x0], $0xffff  }
0x13e: {  	v15 =	vld.idx.msk [tilespmem:v2+s19+$0x0], $0xffff;
	v16 =	vmul.f32 v16, v11;
	_ =	sdelay $0x1  }
0x13f: {  	[tilespmem:v12+s0+$0x0] =	vst.idx.add.f32.msk $0xffff, v16  }
0x140: {  	v16 =	vld.idx.msk [tilespmem:v10+s21+$0x0], $0xffff;
	v10 =	vmul.f32 v60, v4  }
0x141: {  	v62 =	vmul.f32 v61, v5  }
0x142: {  	[tilespmem:v6+s31+$0x0] =	vst.idx.add.f32.msk $0xffff, v10;
	v10 =	vmul.f32 v15, v9  }
0x143: {  	[tilespmem:v7+s31+$0x0] =	vst.idx.add.f32.msk $0xffff, v62  }
0x144: {  	[tilespmem:v8+s31+$0x0] =	vst.idx.add.f32.msk $0xffff, v10  }
0x145: {  	v10 =	vld.idx.msk [tilespmem:v3+s20+$0x0], $0xffff;
	v63 =	vmul.f32 v16, v11  }
0x146: {  	v11 =	vld.idx.msk [tilespmem:v1+s20+$0x0], $0xffff  }
0x147: {  	s10 =	simm.s32 $0x0;
	s11 =	simm.s32 $0x14060;
	[tilespmem:v12+s3+$0x0] =	vst.idx.add.f32.msk $0xffff, v63  }
.LBB2_10:
0x148: {  	v12 =	vld [tilespmem:s11+$0x10];
	s10 =	sadd.s32 $0x4, s10  }
0x149: {  	v13 =	vld [tilespmem:s11+$0xFFFFFFF0];
	p0 =	slt.u32 s10, $0xC4  }
0x14a: {  	v14 =	vld [tilespmem:s11+$0x0]  }
0x14b: {  	v10 =	vmul.f32 v10, v4;
	v15 =	vld [tilespmem:s11+$0xFFFFFFE0]  }
0x14c: {  	v11 =	vmul.f32 v11, v5;
	v16 =	vld.idx.msk [tilespmem:v2+s20+$0x0], $0xffff  }
0x14d: {  	[tilespmem:v6+s0+$0x0] =	vst.idx.add.f32.msk $0xffff, v10  }
0x14e: {  	s8 =	sadd.s32 $0x40, s8;
	[tilespmem:v7+s0+$0x0] =	vst.idx.add.f32.msk $0xffff, v11  }
0x14f: {  	v17 =	vld [tilespmem:s8+$0x10]  }
0x150: {  	s9 =	sadd.s32 $0x40, s9;
	v10 =	vld.idx.msk [tilespmem:v12+s4+$0x0], $0xffff  }
0x151: {  	v11 =	vld [tilespmem:s9+$0x10]  }
0x152: {  	v16 =	vmul.f32 v16, v9;
	v18 =	vld.idx.msk [tilespmem:v13+s4+$0x0], $0xffff  }
0x153: {  	v19 =	vld.idx.msk [tilespmem:v15+s4+$0x0], $0xffff  }
0x154: {  	v20 =	vld.idx.msk [tilespmem:v14+s4+$0x0], $0xffff  }
0x155: {  	v21 =	vld [tilespmem:s9+$0xFFFFFFE0]  }
0x156: {  	v22 =	vld [tilespmem:s9+$0xFFFFFFF0];
	v10 =	vmul.f32 v10, v11  }
0x157: {  	v23 =	vld [tilespmem:s9+$0x0]  }
0x158: {  	[tilespmem:v17+s30+$0x0] =	vst.idx.add.f32.msk $0xffff, v10  }
0x159: {  	v10 =	vld.idx.msk [tilespmem:v12+s19+$0x0], $0xffff  }
0x15a: {  	v24 =	vld [tilespmem:s8+$0xFFFFFFE0];
	v19 =	vmul.f32 v19, v21  }
0x15b: {  	v25 =	vld [tilespmem:s8+$0xFFFFFFF0];
	v18 =	vmul.f32 v18, v22  }
0x15c: {  	v26 =	vld [tilespmem:s8+$0x0];
	v20 =	vmul.f32 v20, v23  }
0x15d: {  	[tilespmem:v8+s0+$0x0] =	vst.idx.add.f32.msk $0xffff, v16  }
0x15e: {  	v16 =	vld.idx.msk [tilespmem:v3+s21+$0x0], $0xffff;
	v3 =	vmov v15  }
0x15f: {  	v10 =	vmul.f32 v10, v11;
	v15 =	vld.idx.msk [tilespmem:v1+s21+$0x0], $0xffff;
	v1 =	vmov v13  }
0x160: {  	v13 =	vld.idx.msk [tilespmem:v2+s21+$0x0], $0xffff;
	v2 =	vmov v14  }
0x161: {  	[tilespmem:v17+s31+$0x0] =	vst.idx.add.f32.msk $0xffff, v10  }
0x162: {  	v10 =	vld.idx.msk [tilespmem:v12+s20+$0x0], $0xffff  }
0x163: {  	[tilespmem:v24+s30+$0x0] =	vst.idx.add.f32.msk $0xffff, v19  }
0x164: {  	v14 =	vmul.f32 v16, v4;
	v4 =	vmov v21;
	[tilespmem:v25+s30+$0x0] =	vst.idx.add.f32.msk $0xffff, v18  }
0x165: {  	v15 =	vmul.f32 v15, v5;
	v5 =	vmov v22;
	[tilespmem:v26+s30+$0x0] =	vst.idx.add.f32.msk $0xffff, v20  }
0x166: {  	v13 =	vmul.f32 v13, v9;
	v9 =	vmov v23;
	v16 =	vld.idx.msk [tilespmem:v3+s19+$0x0], $0xffff  }
0x167: {  	v18 =	vld.idx.msk [tilespmem:v1+s19+$0x0], $0xffff  }
0x168: {  	v10 =	vmul.f32 v10, v11;
	v19 =	vld.idx.msk [tilespmem:v2+s19+$0x0], $0xffff  }
0x169: {  	[tilespmem:v6+s3+$0x0] =	vst.idx.add.f32.msk $0xffff, v14;
	v6 =	vmov v24  }
0x16a: {  	[tilespmem:v17+s0+$0x0] =	vst.idx.add.f32.msk $0xffff, v10  }
0x16b: {  	v12 =	vld.idx.msk [tilespmem:v12+s21+$0x0], $0xffff  }
0x16c: {  	v10 =	vmul.f32 v16, v4;
	[tilespmem:v7+s3+$0x0] =	vst.idx.add.f32.msk $0xffff, v15;
	v7 =	vmov v25  }
0x16d: {  	v14 =	vmul.f32 v18, v5;
	[tilespmem:v8+s3+$0x0] =	vst.idx.add.f32.msk $0xffff, v13;
	v8 =	vmov v26  }
0x16e: {  	[tilespmem:v24+s31+$0x0] =	vst.idx.add.f32.msk $0xffff, v10;
	v10 =	vmul.f32 v19, v9  }
.Ltmp4:
0x16f: {  	[tilespmem:v25+s31+$0x0] =	vst.idx.add.f32.msk $0xffff, v14;
	(pc) =	sbr.rel @p0 .LBB2_10-.Ltmp4, $4  }
0x170: {  	[tilespmem:v26+s31+$0x0] =	vst.idx.add.f32.msk $0xffff, v10  }
0x171: {  	v12 =	vmul.f32 v12, v11;
	v10 =	vld.idx.msk [tilespmem:v3+s20+$0x0], $0xffff  }
0x172: {  	v11 =	vld.idx.msk [tilespmem:v1+s20+$0x0], $0xffff  }
0x173: {  	s11 =	sadd.s32 $0x40, s11;
	[tilespmem:v17+s3+$0x0] =	vst.idx.add.f32.msk $0xffff, v12  }
0x174: {  	_ =	sdelay $0x3  }
0x175: {  	v12 =	vld.idx.msk [tilespmem:v2+s20+$0x0], $0xffff  }
0x176: {  	v10 =	vmul.f32 v10, v4  }
0x177: {  	v11 =	vmul.f32 v11, v5  }
0x178: {  	[tilespmem:v6+s0+$0x0] =	vst.idx.add.f32.msk $0xffff, v10  }
0x179: {  	[tilespmem:v7+s0+$0x0] =	vst.idx.add.f32.msk $0xffff, v11  }
0x17a: {  	v10 =	vmul.f32 v12, v9;
	v3 =	vld.idx.msk [tilespmem:v3+s21+$0x0], $0xffff  }
0x17b: {  	v1 =	vld.idx.msk [tilespmem:v1+s21+$0x0], $0xffff  }
0x17c: {  	[tilespmem:v8+s0+$0x0] =	vst.idx.add.f32.msk $0xffff, v10  }
0x17d: {  	v2 =	vld.idx.msk [tilespmem:v2+s21+$0x0], $0xffff;
	_ =	sdelay $0x2  }
0x17e: {  	v3 =	vmul.f32 v3, v4  }
0x17f: {  	v1 =	vmul.f32 v1, v5  }
0x180: {  	[tilespmem:v6+s3+$0x0] =	vst.idx.add.f32.msk $0xffff, v3;
	v2 =	vmul.f32 v2, v9  }
0x181: {  	[tilespmem:v7+s3+$0x0] =	vst.idx.add.f32.msk $0xffff, v1  }
0x182: {  	[tilespmem:v8+s3+$0x0] =	vst.idx.add.f32.msk $0xffff, v2  }
0x183: {  	_ =	swait.ge [sflag:s6], $0xC80  }
0x184: {  	[sflag:s6] =	ssyncset.done $0x0  }
0x185: {  	[sflag:s6] =	ssyncadd.s32 $0xFFFFF380  }
0x186: {  	_ =	swait.ge [sflag:s6], $0xC80  }
0x187: {  	[sflag:s6] =	ssyncset.done $0x0  }
0x188: {  	[sflag:s6] =	ssyncadd.s32 $0xFFFFF380  }
0x189: {  	_ =	swait.ge [sflag:s6], $0xC80  }
0x18a: {  	[sflag:s6] =	ssyncset.done $0x0  }
0x18b: {  	s8 =	simm.s32 $0x165A0;
	[sflag:s6] =	ssyncadd.s32 $0xFFFFF380  }
0x18c: {  	v10 =	vld [tilespmem:s8+$0x10];
	_ =	sdelay $0x2  }
0x18d: {  	v1 =	vld [tilespmem:s8+$0xFFFFFFF0]  }
0x18e: {  	v3 =	vld [tilespmem:s8+$0xFFFFFFE0]  }
0x18f: {  	s9 =	simm.s32 $0x17EA0;
	v2 =	vld [tilespmem:s8+$0x0]  }
0x190: {  	s8 =	simm.s32 $0x17220;
	v11 =	vld [tilespmem:s9+$0x10]  }
0x191: {  	v59 =	vld [tilespmem:s8+$0x10]  }
0x192: {  	v5 =	vld.idx.msk [tilespmem:v10+s4+$0x0], $0xffff  }
0x193: {  	v4 =	vld [tilespmem:s9+$0xFFFFFFE0]  }
0x194: {  	v9 =	vld [tilespmem:s9+$0x0]  }
0x195: {  	v7 =	vld [tilespmem:s8+$0xFFFFFFF0]  }
0x196: {  	v8 =	vld [tilespmem:s8+$0x0]  }
0x197: {  	v13 =	vld.idx.msk [tilespmem:v1+s4+$0x0], $0xffff;
	v6 =	vmul.f32 v5, v11  }
0x198: {  	v15 =	vld.idx.msk [tilespmem:v2+s4+$0x0], $0xffff  }
0x199: {  	[tilespmem:v59+s30+$0x0] =	vst.idx.add.f32.msk $0xffff, v6  }
0x19a: {  	v16 =	vld.idx.msk [tilespmem:v10+s19+$0x0], $0xffff  }
0x19b: {  	v5 =	vld [tilespmem:s9+$0xFFFFFFF0]  }
0x19c: {  	v6 =	vld [tilespmem:s8+$0xFFFFFFE0]  }
0x19d: {  	v14 =	vld.idx.msk [tilespmem:v3+s4+$0x0], $0xffff  }
0x19e: {  	v15 =	vmul.f32 v15, v9  }
0x19f: {  	v16 =	vmul.f32 v16, v11  }
0x1a0: {  	[tilespmem:v8+s30+$0x0] =	vst.idx.add.f32.msk $0xffff, v15  }
0x1a1: {  	v13 =	vmul.f32 v13, v5;
	[tilespmem:v59+s31+$0x0] =	vst.idx.add.f32.msk $0xffff, v16  }
0x1a2: {  	v14 =	vmul.f32 v14, v4;
	v16 =	vld.idx.msk [tilespmem:v10+s20+$0x0], $0xffff  }
0x1a3: {  	[tilespmem:v7+s30+$0x0] =	vst.idx.add.f32.msk $0xffff, v13  }
0x1a4: {  	[tilespmem:v6+s30+$0x0] =	vst.idx.add.f32.msk $0xffff, v14  }
0x1a5: {  	v60 =	vld.idx.msk [tilespmem:v3+s19+$0x0], $0xffff  }
0x1a6: {  	v61 =	vld.idx.msk [tilespmem:v1+s19+$0x0], $0xffff  }
0x1a7: {  	v15 =	vld.idx.msk [tilespmem:v2+s19+$0x0], $0xffff;
	v16 =	vmul.f32 v16, v11;
	_ =	sdelay $0x1  }
0x1a8: {  	[tilespmem:v59+s0+$0x0] =	vst.idx.add.f32.msk $0xffff, v16  }
0x1a9: {  	v16 =	vld.idx.msk [tilespmem:v10+s21+$0x0], $0xffff;
	v10 =	vmul.f32 v60, v4  }
0x1aa: {  	v62 =	vmul.f32 v61, v5  }
0x1ab: {  	[tilespmem:v6+s31+$0x0] =	vst.idx.add.f32.msk $0xffff, v10;
	v10 =	vmul.f32 v15, v9  }
0x1ac: {  	[tilespmem:v7+s31+$0x0] =	vst.idx.add.f32.msk $0xffff, v62  }
0x1ad: {  	[tilespmem:v8+s31+$0x0] =	vst.idx.add.f32.msk $0xffff, v10  }
0x1ae: {  	v10 =	vld.idx.msk [tilespmem:v3+s20+$0x0], $0xffff;
	v63 =	vmul.f32 v16, v11  }
0x1af: {  	v11 =	vld.idx.msk [tilespmem:v1+s20+$0x0], $0xffff  }
0x1b0: {  	s10 =	simm.s32 $0x0;
	s11 =	simm.s32 $0x165E0;
	[tilespmem:v59+s3+$0x0] =	vst.idx.add.f32.msk $0xffff, v63  }
.LBB2_12:
0x1b1: {  	v12 =	vld [tilespmem:s11+$0x10];
	s10 =	sadd.s32 $0x4, s10  }
0x1b2: {  	v13 =	vld [tilespmem:s11+$0xFFFFFFF0];
	p0 =	slt.u32 s10, $0xC4  }
0x1b3: {  	v14 =	vld [tilespmem:s11+$0x0]  }
0x1b4: {  	v10 =	vmul.f32 v10, v4;
	v15 =	vld [tilespmem:s11+$0xFFFFFFE0]  }
0x1b5: {  	v11 =	vmul.f32 v11, v5;
	v16 =	vld.idx.msk [tilespmem:v2+s20+$0x0], $0xffff  }
0x1b6: {  	[tilespmem:v6+s0+$0x0] =	vst.idx.add.f32.msk $0xffff, v10  }
0x1b7: {  	s8 =	sadd.s32 $0x40, s8;
	[tilespmem:v7+s0+$0x0] =	vst.idx.add.f32.msk $0xffff, v11  }
0x1b8: {  	v17 =	vld [tilespmem:s8+$0x10]  }
0x1b9: {  	s9 =	sadd.s32 $0x40, s9;
	v10 =	vld.idx.msk [tilespmem:v12+s4+$0x0], $0xffff  }
0x1ba: {  	v11 =	vld [tilespmem:s9+$0x10]  }
0x1bb: {  	v16 =	vmul.f32 v16, v9;
	v18 =	vld.idx.msk [tilespmem:v13+s4+$0x0], $0xffff  }
0x1bc: {  	v19 =	vld.idx.msk [tilespmem:v15+s4+$0x0], $0xffff  }
0x1bd: {  	v20 =	vld.idx.msk [tilespmem:v14+s4+$0x0], $0xffff  }
0x1be: {  	v21 =	vld [tilespmem:s9+$0xFFFFFFE0]  }
0x1bf: {  	v22 =	vld [tilespmem:s9+$0xFFFFFFF0];
	v10 =	vmul.f32 v10, v11  }
0x1c0: {  	v23 =	vld [tilespmem:s9+$0x0]  }
0x1c1: {  	[tilespmem:v17+s30+$0x0] =	vst.idx.add.f32.msk $0xffff, v10  }
0x1c2: {  	v10 =	vld.idx.msk [tilespmem:v12+s19+$0x0], $0xffff  }
0x1c3: {  	v24 =	vld [tilespmem:s8+$0xFFFFFFE0];
	v19 =	vmul.f32 v19, v21  }
0x1c4: {  	v25 =	vld [tilespmem:s8+$0xFFFFFFF0];
	v18 =	vmul.f32 v18, v22  }
0x1c5: {  	v26 =	vld [tilespmem:s8+$0x0];
	v20 =	vmul.f32 v20, v23  }
0x1c6: {  	[tilespmem:v8+s0+$0x0] =	vst.idx.add.f32.msk $0xffff, v16  }
0x1c7: {  	v16 =	vld.idx.msk [tilespmem:v3+s21+$0x0], $0xffff;
	v3 =	vmov v15  }
0x1c8: {  	v10 =	vmul.f32 v10, v11;
	v15 =	vld.idx.msk [tilespmem:v1+s21+$0x0], $0xffff;
	v1 =	vmov v13  }
0x1c9: {  	v13 =	vld.idx.msk [tilespmem:v2+s21+$0x0], $0xffff;
	v2 =	vmov v14  }
0x1ca: {  	[tilespmem:v17+s31+$0x0] =	vst.idx.add.f32.msk $0xffff, v10  }
0x1cb: {  	v10 =	vld.idx.msk [tilespmem:v12+s20+$0x0], $0xffff  }
0x1cc: {  	[tilespmem:v24+s30+$0x0] =	vst.idx.add.f32.msk $0xffff, v19  }
0x1cd: {  	v14 =	vmul.f32 v16, v4;
	v4 =	vmov v21;
	[tilespmem:v25+s30+$0x0] =	vst.idx.add.f32.msk $0xffff, v18  }
0x1ce: {  	v15 =	vmul.f32 v15, v5;
	v5 =	vmov v22;
	[tilespmem:v26+s30+$0x0] =	vst.idx.add.f32.msk $0xffff, v20  }
0x1cf: {  	v13 =	vmul.f32 v13, v9;
	v9 =	vmov v23;
	v16 =	vld.idx.msk [tilespmem:v3+s19+$0x0], $0xffff  }
0x1d0: {  	v18 =	vld.idx.msk [tilespmem:v1+s19+$0x0], $0xffff  }
0x1d1: {  	v10 =	vmul.f32 v10, v11;
	v19 =	vld.idx.msk [tilespmem:v2+s19+$0x0], $0xffff  }
0x1d2: {  	[tilespmem:v6+s3+$0x0] =	vst.idx.add.f32.msk $0xffff, v14;
	v6 =	vmov v24  }
0x1d3: {  	[tilespmem:v17+s0+$0x0] =	vst.idx.add.f32.msk $0xffff, v10  }
0x1d4: {  	v12 =	vld.idx.msk [tilespmem:v12+s21+$0x0], $0xffff  }
0x1d5: {  	v10 =	vmul.f32 v16, v4;
	[tilespmem:v7+s3+$0x0] =	vst.idx.add.f32.msk $0xffff, v15;
	v7 =	vmov v25  }
0x1d6: {  	v14 =	vmul.f32 v18, v5;
	[tilespmem:v8+s3+$0x0] =	vst.idx.add.f32.msk $0xffff, v13;
	v8 =	vmov v26  }
0x1d7: {  	[tilespmem:v24+s31+$0x0] =	vst.idx.add.f32.msk $0xffff, v10;
	v10 =	vmul.f32 v19, v9  }
.Ltmp5:
0x1d8: {  	[tilespmem:v25+s31+$0x0] =	vst.idx.add.f32.msk $0xffff, v14;
	(pc) =	sbr.rel @p0 .LBB2_12-.Ltmp5, $4  }
0x1d9: {  	[tilespmem:v26+s31+$0x0] =	vst.idx.add.f32.msk $0xffff, v10  }
0x1da: {  	v12 =	vmul.f32 v12, v11;
	v10 =	vld.idx.msk [tilespmem:v3+s20+$0x0], $0xffff  }
0x1db: {  	v11 =	vld.idx.msk [tilespmem:v1+s20+$0x0], $0xffff  }
0x1dc: {  	s11 =	sadd.s32 $0x40, s11;
	[tilespmem:v17+s3+$0x0] =	vst.idx.add.f32.msk $0xffff, v12  }
0x1dd: {  	_ =	sdelay $0x3  }
0x1de: {  	v12 =	vld.idx.msk [tilespmem:v2+s20+$0x0], $0xffff  }
0x1df: {  	v10 =	vmul.f32 v10, v4  }
0x1e0: {  	v11 =	vmul.f32 v11, v5  }
0x1e1: {  	[tilespmem:v6+s0+$0x0] =	vst.idx.add.f32.msk $0xffff, v10  }
0x1e2: {  	[tilespmem:v7+s0+$0x0] =	vst.idx.add.f32.msk $0xffff, v11  }
0x1e3: {  	v63 =	vmul.f32 v12, v9;
	v3 =	vld.idx.msk [tilespmem:v3+s21+$0x0], $0xffff  }
0x1e4: {  	v1 =	vld.idx.msk [tilespmem:v1+s21+$0x0], $0xffff  }
0x1e5: {  	[tilespmem:v8+s0+$0x0] =	vst.idx.add.f32.msk $0xffff, v63  }
0x1e6: {  	v2 =	vld.idx.msk [tilespmem:v2+s21+$0x0], $0xffff;
	_ =	sdelay $0x2  }
0x1e7: {  	v3 =	vmul.f32 v3, v4  }
0x1e8: {  	v1 =	vmul.f32 v1, v5  }
0x1e9: {  	[tilespmem:v6+s3+$0x0] =	vst.idx.add.f32.msk $0xffff, v3;
	v2 =	vmul.f32 v2, v9  }
0x1ea: {  	[tilespmem:v7+s3+$0x0] =	vst.idx.add.f32.msk $0xffff, v1  }
0x1eb: {  	[tilespmem:v8+s3+$0x0] =	vst.idx.add.f32.msk $0xffff, v2  }
0x1ec: {  	s8 =	rddreg [dreg:$0xb]  }
0x1ed: {  	[hbm4b:s8+s4] =	stream.linear.scatter [tilespmem:s30], [sflag:$0x3], $0x2800, $0x38;
	[tilespmem:$0x18B00] =	vst v63  }
0x1ee: {  	_ =	swait.ge [sflag:s18], $0x2800  }
0x1ef: {  	[sflag:s18] =	ssyncset.done $0x0  }
0x1f0: {  	[sflag:s18] =	ssyncadd.s32 $0xFFFFD800  }
0x1f1: {  	[hbm4b:s14+s4] =	stream.linear.scatter [tilespmem:s31], [sflag:$0x3], $0x2800, $0x38;
	[tilespmem:$0x18B00] =	vst v63  }
0x1f2: {  	_ =	swait.ge [sflag:s18], $0x2800  }
0x1f3: {  	[sflag:s18] =	ssyncset.done $0x0  }
0x1f4: {  	[sflag:s18] =	ssyncadd.s32 $0xFFFFD800  }
0x1f5: {  	[hbm4b:s15+s4] =	stream.linear.scatter [tilespmem:s0], [sflag:$0x3], $0x2800, $0x38;
	[tilespmem:$0x18B00] =	vst v63  }
0x1f6: {  	s7 =	sadd.s32 $0x1, s7;
	_ =	swait.ge [sflag:s18], $0x2800  }
0x1f7: {  	p0 =	sne.s32 s7, s17;
	[sflag:s18] =	ssyncset.done $0x0  }
.Ltmp6:
0x1f8: {  	[sflag:s18] =	ssyncadd.s32 $0xFFFFD800;
	(pc) =	sbr.rel @p0 .LBB2_1-.Ltmp6, $4  }
0x1f9: {  	[hbm4b:s16+s4] =	stream.linear.scatter [tilespmem:s3], [sflag:$0x3], $0x2800, $0x38;
	[tilespmem:$0x18B00] =	vst v63  }
0x1fa: {  	_ =	swait.ge [sflag:s18], $0x2800  }
0x1fb: {  	[sflag:s18] =	ssyncset.done $0x0  }
0x1fc: {  	[sflag:s18] =	ssyncadd.s32 $0xFFFFD800  }
0x1fd: {  	_ =	sfence.sel $0x180000  }
0x1fe: {  	[bflag:$0x0] =	sbarrier.arrive $0xFFFF  }
0x1ff: {  	_ =	strace $0x90000047  }
0x200: {  	s0 =	stileid.u32;
	[bflag:$0x2] =	sbarrier.arrive $0xFFFF  }
0x201: {  	p0 =	sne.s32 s0, $0x0;
	s0 =	rddreg [dreg:$0x3]  }
0x202: {  	s0 =	sadd.s32 @!p0 $0x100000, s0  }
0x203: {  	[sflag:s0] =	ssyncadd.tile.s32 @!p0 $0x1;
	_ =	shalt  }
.Lfunc_end2:
_tile_overlayer_lowered:
.L_overlay_start_2:
0x204: {  	(tag) =	ssettag $0x2  }
0x205: {  	s0 =	rddreg [dreg:$0x0];
	s2 =	stileid.u32  }
0x206: {  	s1 =	rddreg [dreg:$0x1];
	p0 =	sne.s32 s2, $0x0  }
0x207: {  	s3 =	rddreg [dreg:$0x2];
	[bflag:$0x3] =	sbarrier.arrive $0xFFFF;
	s2 =	simm.s32 @!p0 $0x1C03  }
0x208: {  	[timem:s3], [sflag:s2] =	dma.local @!p0 [hbm:s0], s1  }
0x209: {  	s0 =	simm.s32 @!p0 $0x3  }
0x20a: {  	_ =	swait.ge @!p0 [sflag:s0], s1  }
0x20b: {  	s1 =	ssub.s32 @!p0 $0x0, s1;
	[sflag:s0] =	ssyncset.done @!p0 $0x0  }
0x20c: {  	[sflag:s0] =	ssyncadd.s32 @!p0 s1  }
0x20d: {  	[bflag:$0x3] =	sbarrier.arrive $0xFFFF  }
0x20e: {  	_ =	shalt  }

</sc_bundles>
